<compile_context>
chip_gen: v7x
topology: tpu7x:2x2x1
jax: 0.10.2.dev20260603
libtpu: 0.0.44.dev20260713+nightly
codegen_flags: <defaults>
</compile_context>

<pallas_src>
import functools
import math

import jax
import jax.numpy as jnp
from jax import lax
from jax.experimental import pallas as pl
from jax.experimental.pallas import tpu as pltpu
from jax.experimental.pallas import tpu_sc as plsc

_VOCAB = 50000
_EMBED = 64
_S = 256
_B = 16384
_W = 128
_LOGV1 = math.log(float(_VOCAB + 1))


def _tp_body(xT_ref, out_ref):
    x = xT_ref[...]
    out_ref[:, :_EMBED] = jnp.swapaxes(x, 0, 1)


def _transpose_pad(tableT):
    CB = 16384
    NBLK = (_VOCAB + CB - 1) // CB
    return pl.pallas_call(
        _tp_body,
        grid=(NBLK,),
        in_specs=[pl.BlockSpec((_EMBED, CB), lambda i: (0, i))],
        out_specs=pl.BlockSpec((CB, _W), lambda i: (i, 0)),
        out_shape=jax.ShapeDtypeStruct((_VOCAB, _W), jnp.float32),
    )(tableT)


def _sc_gather_emb(center_r, emb_p, NC, NS):
    NW = NC * NS
    bpw = _B // NW
    J = bpw // 128
    mesh = plsc.VectorSubcoreMesh(core_axis_name="c", subcore_axis_name="s")

    @functools.partial(
        pl.kernel, mesh=mesh,
        out_type=jax.ShapeDtypeStruct((_B, _W), jnp.float32),
        scratch_types=[
            pltpu.VMEM((J, 128), jnp.int32),
            pltpu.VMEM((bpw, _W), jnp.float32),
            pltpu.SemaphoreType.DMA,
        ],
    )
    def k(center_hbm, table_hbm, emb_out, cidx, erows, sem):
        wid = lax.axis_index("s") * NC + lax.axis_index("c")
        base = wid * bpw
        pltpu.sync_copy(center_hbm.at[wid], cidx)
        copies = []
        for j in range(J):
            copies.append(pltpu.async_copy(
                table_hbm.at[cidx.at[j]],
                erows.at[pl.ds(j * 128, 128)], sem))
        for c in copies:
            c.wait()
        pltpu.sync_copy(erows, emb_out.at[pl.ds(base, bpw)])

    return k(center_r, emb_p)


def _sc_gather_true(target_r, ncew_p, nceb, sampled_r, NC, NS):
    NW = NC * NS
    bpw = _B // NW
    J = bpw // 128
    spw = _S // NW
    mesh = plsc.VectorSubcoreMesh(core_axis_name="c", subcore_axis_name="s")

    @functools.partial(
        pl.kernel, mesh=mesh,
        out_type=[
            jax.ShapeDtypeStruct((_B, _W), jnp.float32),
            jax.ShapeDtypeStruct((NW, J, 128), jnp.float32),
            jax.ShapeDtypeStruct((_S, _W), jnp.float32),
            jax.ShapeDtypeStruct((NW, spw), jnp.float32),
        ],
        scratch_types=[
            pltpu.VMEM((J, 128), jnp.int32),
            pltpu.VMEM((spw,), jnp.int32),
            pltpu.VMEM((bpw, _W), jnp.float32),
            pltpu.VMEM((J, 128), jnp.float32),
            pltpu.VMEM((spw, _W), jnp.float32),
            pltpu.VMEM((spw,), jnp.float32),
            pltpu.SemaphoreType.DMA,
            pltpu.SemaphoreType.DMA,
        ],
    )
    def k(target_hbm, ncew_hbm, nceb_hbm, samp_hbm,
          tw_out, tb_out, sw_out, sb_out,
          tidx, sidx, wrows, bvals, srows, sbvals, sem_w, sem_b):
        wid = lax.axis_index("s") * NC + lax.axis_index("c")
        base = wid * bpw
        pltpu.sync_copy(target_hbm.at[wid], tidx)
        pltpu.sync_copy(samp_hbm.at[wid], sidx)
        copies = []
        for j in range(J):
            copies.append(pltpu.async_copy(
                ncew_hbm.at[tidx.at[j]],
                wrows.at[pl.ds(j * 128, 128)], sem_w))
        small = []
        for j in range(J):
            small.append(pltpu.async_copy(
                nceb_hbm.at[tidx.at[j]], bvals.at[j], sem_b))
        small.append(pltpu.async_copy(ncew_hbm.at[sidx], srows, sem_b))
        small.append(pltpu.async_copy(nceb_hbm.at[sidx], sbvals, sem_b))
        for c in copies:
            c.wait()
        pltpu.sync_copy(wrows, tw_out.at[pl.ds(base, bpw)])
        for c in small:
            c.wait()
        pltpu.sync_copy(bvals, tb_out.at[wid])
        pltpu.sync_copy(srows, sw_out.at[pl.ds(wid * spw, spw)])
        pltpu.sync_copy(sbvals, sb_out.at[wid])

    return k(target_r, ncew_p, nceb, sampled_r)


def _tc_body(nb, embw_ref, tww_ref, tb_ref, tgt_ref, swt_ref, off_ref,
             out_ref):
    i = pl.program_id(0)
    emb = embw_ref[:, :_EMBED]
    embb = emb.astype(jnp.bfloat16)
    logits = jnp.dot(embb, swt_ref[...],
                     preferred_element_type=jnp.float32)
    lb = logits.astype(jnp.bfloat16) + off_ref[...]
    sp = (jnp.maximum(lb, jnp.bfloat16(0.0))
          + jnp.log1p(jnp.exp(-jnp.abs(lb))))
    s_loss = jnp.sum(sp.astype(jnp.float32))
    tw = tww_ref[:, :_EMBED]
    tl = jnp.sum(emb * tw, axis=1)
    tf = tgt_ref[0, 0, :].astype(jnp.float32)
    log_te = jnp.log(float(_S) * (jnp.log(tf + 2.0) - jnp.log(tf + 1.0))
                     / _LOGV1)
    tl = tl + tb_ref[0, 0, :] - log_te
    t_loss = jnp.sum(jnp.maximum(-tl, 0.0)
                     + jnp.log1p(jnp.exp(-jnp.abs(tl))))

    @pl.when(i == 0)
    def _():
        out_ref[...] = jnp.zeros_like(out_ref)

    out_ref[...] += jnp.full((1, 1), s_loss + t_loss, jnp.float32)

    @pl.when(i == nb - 1)
    def _():
        out_ref[...] = out_ref[...] * (1.0 / float(_B))


def _tc_loss(embw, tww, tb3, tgt3, swt, off):
    NB = 8
    BT = _B // NB
    return pl.pallas_call(
        functools.partial(_tc_body, NB),
        grid=(NB,),
        in_specs=[
            pl.BlockSpec((BT, _W), lambda i: (i, 0)),
            pl.BlockSpec((BT, _W), lambda i: (i, 0)),
            pl.BlockSpec((1, 1, BT), lambda i: (i, 0, 0)),
            pl.BlockSpec((1, 1, BT), lambda i: (i, 0, 0)),
            pl.BlockSpec((_EMBED, _S), lambda i: (0, 0)),
            pl.BlockSpec((1, _S), lambda i: (0, 0)),
        ],
        out_specs=pl.BlockSpec((1, 1), lambda i: (0, 0)),
        out_shape=jax.ShapeDtypeStruct((1, 1), jnp.float32),
    )(embw, tww, tb3, tgt3, swt, off)


def kernel(center_words, target_words, embedding_matrix, nce_weight, nce_bias):
    info = plsc.get_sparse_core_info()
    NC, NS = info.num_cores, info.num_subcores
    NW = NC * NS
    bpw = _B // NW
    J = bpw // 128
    spw = _S // NW

    skey = jax.random.key(42)
    u = jax.random.uniform(skey, (_S,), dtype=jnp.float32)
    logv1 = jnp.log(jnp.float32(_VOCAB) + 1.0)
    sampled = jnp.clip(
        (jnp.exp(u * logv1) - 1.0).astype(jnp.int32), 0, _VOCAB - 1)
    sf = sampled.astype(jnp.float32)
    log_se = jnp.log(float(_S) * (jnp.log(sf + 2.0) - jnp.log(sf + 1.0))
                     / logv1)

    target_flat = target_words.reshape(-1)
    center_r = center_words.reshape(NW, J, 128)
    target_r = target_flat.reshape(NW, J, 128)
    sampled_r = sampled.reshape(NW, spw)

    emb_p = _transpose_pad(embedding_matrix.T)
    embw = _sc_gather_emb(center_r, emb_p, NC, NS)
    ncew_p = _transpose_pad(nce_weight.T)
    tww, tb, sww, sb = _sc_gather_true(
        target_r, ncew_p, nce_bias, sampled_r, NC, NS)

    NB = 8
    BT = _B // NB
    tb3 = tb.reshape(NB, 1, BT)
    tgt3 = target_flat.reshape(NB, 1, BT)
    sw = sww[:, :_EMBED]
    swt = sw.T.astype(jnp.bfloat16)
    off = (sb.reshape(_S) - log_se).reshape(1, _S).astype(jnp.bfloat16)

    out = _tc_loss(embw, tww, tb3, tgt3, swt, off)
    return out[0, 0]

# --- scband reference (transcript-rebuilt; emitter-appended) ---
"""Pipeline reference for scband-word2-vec-66606352827121 (READ-ONLY COPY).

The authoritative reference and input builder live on the scoring server;
editing this copy changes nothing except your own understanding.
"""

import jax, jax.numpy as jnp
import numpy as np

VOCAB = 50000
EMBED = 64
NUM_SAMPLED = 256
BATCH = 16384


def setup_inputs(seed: int = 0) -> dict:
    key = jax.random.key(seed)
    k1, k2, k3, k4 = jax.random.split(key, 4)
    center_words = jax.random.randint(k1, (BATCH,), 0, VOCAB, dtype=jnp.int32)
    target_words = jax.random.randint(k2, (BATCH, 1), 0, VOCAB, dtype=jnp.int32)
    # GlorotUniform init for embedding matrix
    limit = float(np.sqrt(6.0 / (VOCAB + EMBED)))
    embedding_matrix = jax.random.uniform(k3, (VOCAB, EMBED), minval=-limit, maxval=limit, dtype=jnp.float32)
    # TruncatedNormal(stddev=1/sqrt(embed)) for nce weights
    nce_weight = jax.random.truncated_normal(k4, -2.0, 2.0, (VOCAB, EMBED), dtype=jnp.float32) * (1.0 / float(np.sqrt(EMBED)))
    nce_bias = jnp.zeros((VOCAB,), dtype=jnp.float32)
    return {"center_words": center_words, "target_words": target_words,
            "embedding_matrix": embedding_matrix, "nce_weight": nce_weight, "nce_bias": nce_bias}


def _log_uniform_prob(ids, num_classes):
    idsf = ids.astype(jnp.float32)
    return (jnp.log(idsf + 2.0) - jnp.log(idsf + 1.0)) / jnp.log(float(num_classes) + 1.0)


def _nce_loss(weights, biases, labels, inputs, num_sampled, num_classes):
    # Faithful port of tf.nn.nce_loss with a log-uniform candidate sampler
    labels_flat = labels.reshape(-1)  # [B], num_true = 1
    skey = jax.random.key(42)
    u = jax.random.uniform(skey, (num_sampled,), dtype=jnp.float32)
    sampled = jnp.clip((jnp.exp(u * jnp.log(float(num_classes) + 1.0)) - 1.0).astype(jnp.int32), 0, num_classes - 1)
    true_expected = float(num_sampled) * _log_uniform_prob(labels_flat, num_classes)  # [B]
    sampled_expected = float(num_sampled) * _log_uniform_prob(sampled, num_classes)   # [S]
    # gather weights/biases for true and sampled classes (SparseCore gathers)
    true_w = jnp.take(weights, labels_flat, axis=0)   # [B, d]
    true_b = jnp.take(biases, labels_flat, axis=0)    # [B]
    true_logits = jnp.sum(inputs * true_w, axis=-1) + true_b - jnp.log(true_expected)  # [B]
    sampled_w = jnp.take(weights, sampled, axis=0)    # [S, d]
    sampled_b = jnp.take(biases, sampled, axis=0)     # [S]
    sampled_logits = inputs @ sampled_w.T + sampled_b[None, :] - jnp.log(sampled_expected)[None, :]  # [B, S]
    logits = jnp.concatenate([true_logits[:, None], sampled_logits], axis=1)  # [B, 1+S]
    lbls = jnp.concatenate([jnp.ones_like(true_logits)[:, None], jnp.zeros_like(sampled_logits)], axis=1)
    # sigmoid cross entropy with logits
    xent = jnp.maximum(logits, 0.0) - logits * lbls + jnp.log1p(jnp.exp(-jnp.abs(logits)))
    return jnp.mean(jnp.sum(xent, axis=1))


def reference(center_words, target_words, embedding_matrix, nce_weight, nce_bias):
    # embedding_lookup layer
    emb = jnp.take(embedding_matrix, center_words, axis=0)  # [B, d]
    # nce_loss layer
    loss = _nce_loss(nce_weight, nce_bias, target_words, emb, NUM_SAMPLED, VOCAB)
    return loss

if __name__ == "__main__":
    import jax
    _d = setup_inputs()
    print(jax.jit(kernel)(*tuple(_d.values())))

</pallas_src>

<mosaic_0001>
#map = affine_map<(d0, d1) -> (0, 0, 0)>
#map1 = affine_map<(d0, d1) -> (0, 0)>
#map2 = affine_map<(d0, d1) -> (0)>
module attributes {stable_mosaic.version = 14 : i64} {
  func.func @k(%arg0: i32, %arg1: i32, %arg2: memref<32x4x128xi32, #tpu.memory_space<hbm>>, %arg3: memref<50000x128xf32, #tpu.memory_space<hbm>>, %arg4: memref<50000xf32, #tpu.memory_space<hbm>>, %arg5: memref<32x8xi32, #tpu.memory_space<hbm>>, %arg6: memref<16384x128xf32, #tpu.memory_space<hbm>>, %arg7: memref<32x4x128xf32, #tpu.memory_space<hbm>>, %arg8: memref<256x128xf32, #tpu.memory_space<hbm>>, %arg9: memref<32x8xf32, #tpu.memory_space<hbm>>, %arg10: memref<4x128xi32, #tpu.memory_space<vmem>>, %arg11: memref<8xi32, #tpu.memory_space<vmem>>, %arg12: memref<512x128xf32, #tpu.memory_space<vmem>>, %arg13: memref<4x128xf32, #tpu.memory_space<vmem>>, %arg14: memref<8x128xf32, #tpu.memory_space<vmem>>, %arg15: memref<8xf32, #tpu.memory_space<vmem>>, %arg16: memref<!tpu.dma_semaphore, #tpu.memory_space<semaphore_mem>>, %arg17: memref<!tpu.dma_semaphore, #tpu.memory_space<semaphore_mem>>) attributes {dimension_semantics = [#tpu.dimension_semantics<core_parallel>, #tpu.dimension_semantics<subcore_parallel>], iteration_bounds = array<i64: 2, 16>, scalar_prefetch = 0 : i64, scratch_operands = 8 : i64, tpu.core_type = #tpu.core_type<sc_vector_subcore>, window_params = [{transform_indices = #map}, {transform_indices = #map1}, {transform_indices = #map2}, {transform_indices = #map1}, {transform_indices = #map1}, {transform_indices = #map}, {transform_indices = #map1}, {transform_indices = #map1}]} {
    %mul3A = arith.constant 2 : i32
    %mul3A_0 = arith.muli %arg1, %mul3A : i32
    %add3A = arith.addi %mul3A_0, %arg0 : i32
    %mul3A_1 = arith.constant 512 : i32
    %mul3A_2 = arith.muli %add3A, %mul3A_1 : i32
    "tpu.region"() ({
      %run_scoped3A = tpu.sem_alloc : memref<!tpu.dma_semaphore, #tpu.memory_space<semaphore_mem>>
      %dma_start3A_173 = arith.constant 0 : i32
      %dma_start3A_174 = arith.constant 0 : i32
      %dma_start3A_175 = tpu.memref_slice %arg2[%add3A, %dma_start3A_173, %dma_start3A_174] : memref<32x4x128xi32, #tpu.memory_space<hbm>> -> memref<1x4x128xi32, #tpu.memory_space<hbm>>
      %dma_start3A_176 = tpu.memref_squeeze %dma_start3A_175 : memref<1x4x128xi32, #tpu.memory_space<hbm>> -> memref<4x128xi32, #tpu.memory_space<hbm>>
      %dma_start3A_177 = arith.constant 0 : i32
      %dma_start3A_178 = arith.constant 0 : i32
      %dma_start3A_179 = tpu.memref_slice %arg2[%add3A, %dma_start3A_177, %dma_start3A_178] : memref<32x4x128xi32, #tpu.memory_space<hbm>> -> memref<1x4x128xi32, #tpu.memory_space<hbm>>
      %dma_start3A_180 = tpu.memref_squeeze %dma_start3A_179 : memref<1x4x128xi32, #tpu.memory_space<hbm>> -> memref<4x128xi32, #tpu.memory_space<hbm>>
      tpu.enqueue_dma source(%dma_start3A_180 : memref<4x128xi32, #tpu.memory_space<hbm>>) target(%arg10 : memref<4x128xi32, #tpu.memory_space<vmem>>) target_semaphore(%run_scoped3A : memref<!tpu.dma_semaphore, #tpu.memory_space<semaphore_mem>>)
      %dma_wait3A_181 = arith.constant 0 : i32
      %dma_wait3A_182 = arith.constant 0 : i32
      %dma_wait3A_183 = tpu.memref_slice %arg2[%add3A, %dma_wait3A_181, %dma_wait3A_182] : memref<32x4x128xi32, #tpu.memory_space<hbm>> -> memref<1x4x128xi32, #tpu.memory_space<hbm>>
      %dma_wait3A_184 = tpu.memref_squeeze %dma_wait3A_183 : memref<1x4x128xi32, #tpu.memory_space<hbm>> -> memref<4x128xi32, #tpu.memory_space<hbm>>
      %dma_wait3A_185 = arith.constant 0 : i32
      %dma_wait3A_186 = arith.constant 0 : i32
      %dma_wait3A_187 = tpu.memref_slice %arg2[%add3A, %dma_wait3A_185, %dma_wait3A_186] : memref<32x4x128xi32, #tpu.memory_space<hbm>> -> memref<1x4x128xi32, #tpu.memory_space<hbm>>
      %dma_wait3A_188 = tpu.memref_squeeze %dma_wait3A_187 : memref<1x4x128xi32, #tpu.memory_space<hbm>> -> memref<4x128xi32, #tpu.memory_space<hbm>>
      tpu.wait_dma2 semaphore(%run_scoped3A : memref<!tpu.dma_semaphore, #tpu.memory_space<semaphore_mem>>) src(%dma_wait3A_188 : memref<4x128xi32, #tpu.memory_space<hbm>>) dst(%arg10 : memref<4x128xi32, #tpu.memory_space<vmem>>)
      tpu.yield
    }) : () -> ()
    "tpu.region"() ({
      %run_scoped3A = tpu.sem_alloc : memref<!tpu.dma_semaphore, #tpu.memory_space<semaphore_mem>>
      %dma_start3A_173 = arith.constant 0 : i32
      %dma_start3A_174 = tpu.memref_slice %arg5[%add3A, %dma_start3A_173] : memref<32x8xi32, #tpu.memory_space<hbm>> -> memref<1x8xi32, #tpu.memory_space<hbm>>
      %dma_start3A_175 = tpu.memref_squeeze %dma_start3A_174 : memref<1x8xi32, #tpu.memory_space<hbm>> -> memref<8xi32, #tpu.memory_space<hbm>>
      %dma_start3A_176 = arith.constant 0 : i32
      %dma_start3A_177 = tpu.memref_slice %arg5[%add3A, %dma_start3A_176] : memref<32x8xi32, #tpu.memory_space<hbm>> -> memref<1x8xi32, #tpu.memory_space<hbm>>
      %dma_start3A_178 = tpu.memref_squeeze %dma_start3A_177 : memref<1x8xi32, #tpu.memory_space<hbm>> -> memref<8xi32, #tpu.memory_space<hbm>>
      tpu.enqueue_dma source(%dma_start3A_178 : memref<8xi32, #tpu.memory_space<hbm>>) target(%arg11 : memref<8xi32, #tpu.memory_space<vmem>>) target_semaphore(%run_scoped3A : memref<!tpu.dma_semaphore, #tpu.memory_space<semaphore_mem>>)
      %dma_wait3A_179 = arith.constant 0 : i32
      %dma_wait3A_180 = tpu.memref_slice %arg5[%add3A, %dma_wait3A_179] : memref<32x8xi32, #tpu.memory_space<hbm>> -> memref<1x8xi32, #tpu.memory_space<hbm>>
      %dma_wait3A_181 = tpu.memref_squeeze %dma_wait3A_180 : memref<1x8xi32, #tpu.memory_space<hbm>> -> memref<8xi32, #tpu.memory_space<hbm>>
      %dma_wait3A_182 = arith.constant 0 : i32
      %dma_wait3A_183 = tpu.memref_slice %arg5[%add3A, %dma_wait3A_182] : memref<32x8xi32, #tpu.memory_space<hbm>> -> memref<1x8xi32, #tpu.memory_space<hbm>>
      %dma_wait3A_184 = tpu.memref_squeeze %dma_wait3A_183 : memref<1x8xi32, #tpu.memory_space<hbm>> -> memref<8xi32, #tpu.memory_space<hbm>>
      tpu.wait_dma2 semaphore(%run_scoped3A : memref<!tpu.dma_semaphore, #tpu.memory_space<semaphore_mem>>) src(%dma_wait3A_184 : memref<8xi32, #tpu.memory_space<hbm>>) dst(%arg11 : memref<8xi32, #tpu.memory_space<vmem>>)
      tpu.yield
    }) : () -> ()
    %dma_start3A = arith.constant 0 : i32
    %dma_start3A_3 = arith.constant 0 : i32
    %dma_start3A_4 = arith.constant 0 : i32
    %dma_start3A_5 = tpu.memref_slice %arg12[%dma_start3A_3, %dma_start3A_4] : memref<512x128xf32, #tpu.memory_space<vmem>> -> memref<128x128xf32, #tpu.memory_space<vmem>>
    %dma_start3A_6 = arith.constant 0 : i32
    %dma_start3A_7 = tpu.memref_slice %arg10[%dma_start3A, %dma_start3A_6] : memref<4x128xi32, #tpu.memory_space<vmem>> -> memref<1x128xi32, #tpu.memory_space<vmem>>
    %dma_start3A_8 = tpu.memref_squeeze %dma_start3A_7 : memref<1x128xi32, #tpu.memory_space<vmem>> -> memref<128xi32, #tpu.memory_space<vmem>>
    %dma_start3A_9 = arith.constant 0 : i32
    %dma_start3A_10 = arith.constant 0 : i32
    %dma_start3A_11 = tpu.memref_slice %arg3[%dma_start3A_9, %dma_start3A_10] : memref<50000x128xf32, #tpu.memory_space<hbm>> -> memref<50000x128xf32, #tpu.memory_space<hbm>>
    tpu.enqueue_indirect_dma source(%dma_start3A_11 : memref<50000x128xf32, #tpu.memory_space<hbm>>) target(%dma_start3A_5 : memref<128x128xf32, #tpu.memory_space<vmem>>) offsets(%dma_start3A_8 : memref<128xi32, #tpu.memory_space<vmem>>) semaphore(%arg16 : memref<!tpu.dma_semaphore, #tpu.memory_space<semaphore_mem>>)
    %dma_start3A_12 = arith.constant 1 : i32
    %dma_start3A_13 = arith.constant 128 : i32
    %dma_start3A_14 = arith.constant 0 : i32
    %dma_start3A_15 = tpu.memref_slice %arg12[%dma_start3A_13, %dma_start3A_14] : memref<512x128xf32, #tpu.memory_space<vmem>> -> memref<128x128xf32, #tpu.memory_space<vmem>>
    %dma_start3A_16 = arith.constant 0 : i32
    %dma_start3A_17 = tpu.memref_slice %arg10[%dma_start3A_12, %dma_start3A_16] : memref<4x128xi32, #tpu.memory_space<vmem>> -> memref<1x128xi32, #tpu.memory_space<vmem>>
    %dma_start3A_18 = tpu.memref_squeeze %dma_start3A_17 : memref<1x128xi32, #tpu.memory_space<vmem>> -> memref<128xi32, #tpu.memory_space<vmem>>
    %dma_start3A_19 = arith.constant 0 : i32
    %dma_start3A_20 = arith.constant 0 : i32
    %dma_start3A_21 = tpu.memref_slice %arg3[%dma_start3A_19, %dma_start3A_20] : memref<50000x128xf32, #tpu.memory_space<hbm>> -> memref<50000x128xf32, #tpu.memory_space<hbm>>
    tpu.enqueue_indirect_dma source(%dma_start3A_21 : memref<50000x128xf32, #tpu.memory_space<hbm>>) target(%dma_start3A_15 : memref<128x128xf32, #tpu.memory_space<vmem>>) offsets(%dma_start3A_18 : memref<128xi32, #tpu.memory_space<vmem>>) semaphore(%arg16 : memref<!tpu.dma_semaphore, #tpu.memory_space<semaphore_mem>>)
    %dma_start3A_22 = arith.constant 2 : i32
    %dma_start3A_23 = arith.constant 256 : i32
    %dma_start3A_24 = arith.constant 0 : i32
    %dma_start3A_25 = tpu.memref_slice %arg12[%dma_start3A_23, %dma_start3A_24] : memref<512x128xf32, #tpu.memory_space<vmem>> -> memref<128x128xf32, #tpu.memory_space<vmem>>
    %dma_start3A_26 = arith.constant 0 : i32
    %dma_start3A_27 = tpu.memref_slice %arg10[%dma_start3A_22, %dma_start3A_26] : memref<4x128xi32, #tpu.memory_space<vmem>> -> memref<1x128xi32, #tpu.memory_space<vmem>>
    %dma_start3A_28 = tpu.memref_squeeze %dma_start3A_27 : memref<1x128xi32, #tpu.memory_space<vmem>> -> memref<128xi32, #tpu.memory_space<vmem>>
    %dma_start3A_29 = arith.constant 0 : i32
    %dma_start3A_30 = arith.constant 0 : i32
    %dma_start3A_31 = tpu.memref_slice %arg3[%dma_start3A_29, %dma_start3A_30] : memref<50000x128xf32, #tpu.memory_space<hbm>> -> memref<50000x128xf32, #tpu.memory_space<hbm>>
    tpu.enqueue_indirect_dma source(%dma_start3A_31 : memref<50000x128xf32, #tpu.memory_space<hbm>>) target(%dma_start3A_25 : memref<128x128xf32, #tpu.memory_space<vmem>>) offsets(%dma_start3A_28 : memref<128xi32, #tpu.memory_space<vmem>>) semaphore(%arg16 : memref<!tpu.dma_semaphore, #tpu.memory_space<semaphore_mem>>)
    %dma_start3A_32 = arith.constant 3 : i32
    %dma_start3A_33 = arith.constant 384 : i32
    %dma_start3A_34 = arith.constant 0 : i32
    %dma_start3A_35 = tpu.memref_slice %arg12[%dma_start3A_33, %dma_start3A_34] : memref<512x128xf32, #tpu.memory_space<vmem>> -> memref<128x128xf32, #tpu.memory_space<vmem>>
    %dma_start3A_36 = arith.constant 0 : i32
    %dma_start3A_37 = tpu.memref_slice %arg10[%dma_start3A_32, %dma_start3A_36] : memref<4x128xi32, #tpu.memory_space<vmem>> -> memref<1x128xi32, #tpu.memory_space<vmem>>
    %dma_start3A_38 = tpu.memref_squeeze %dma_start3A_37 : memref<1x128xi32, #tpu.memory_space<vmem>> -> memref<128xi32, #tpu.memory_space<vmem>>
    %dma_start3A_39 = arith.constant 0 : i32
    %dma_start3A_40 = arith.constant 0 : i32
    %dma_start3A_41 = tpu.memref_slice %arg3[%dma_start3A_39, %dma_start3A_40] : memref<50000x128xf32, #tpu.memory_space<hbm>> -> memref<50000x128xf32, #tpu.memory_space<hbm>>
    tpu.enqueue_indirect_dma source(%dma_start3A_41 : memref<50000x128xf32, #tpu.memory_space<hbm>>) target(%dma_start3A_35 : memref<128x128xf32, #tpu.memory_space<vmem>>) offsets(%dma_start3A_38 : memref<128xi32, #tpu.memory_space<vmem>>) semaphore(%arg16 : memref<!tpu.dma_semaphore, #tpu.memory_space<semaphore_mem>>)
    %dma_start3A_42 = arith.constant 0 : i32
    %dma_start3A_43 = arith.constant 0 : i32
    %dma_start3A_44 = arith.constant 0 : i32
    %dma_start3A_45 = tpu.memref_slice %arg13[%dma_start3A_43, %dma_start3A_44] : memref<4x128xf32, #tpu.memory_space<vmem>> -> memref<1x128xf32, #tpu.memory_space<vmem>>
    %dma_start3A_46 = tpu.memref_squeeze %dma_start3A_45 : memref<1x128xf32, #tpu.memory_space<vmem>> -> memref<128xf32, #tpu.memory_space<vmem>>
    %dma_start3A_47 = arith.constant 0 : i32
    %dma_start3A_48 = tpu.memref_slice %arg10[%dma_start3A_42, %dma_start3A_47] : memref<4x128xi32, #tpu.memory_space<vmem>> -> memref<1x128xi32, #tpu.memory_space<vmem>>
    %dma_start3A_49 = tpu.memref_squeeze %dma_start3A_48 : memref<1x128xi32, #tpu.memory_space<vmem>> -> memref<128xi32, #tpu.memory_space<vmem>>
    %dma_start3A_50 = arith.constant 0 : i32
    %dma_start3A_51 = tpu.memref_slice %arg4[%dma_start3A_50] : memref<50000xf32, #tpu.memory_space<hbm>> -> memref<50000xf32, #tpu.memory_space<hbm>>
    tpu.enqueue_indirect_dma source(%dma_start3A_51 : memref<50000xf32, #tpu.memory_space<hbm>>) target(%dma_start3A_46 : memref<128xf32, #tpu.memory_space<vmem>>) offsets(%dma_start3A_49 : memref<128xi32, #tpu.memory_space<vmem>>) semaphore(%arg17 : memref<!tpu.dma_semaphore, #tpu.memory_space<semaphore_mem>>)
    %dma_start3A_52 = arith.constant 1 : i32
    %dma_start3A_53 = arith.constant 1 : i32
    %dma_start3A_54 = arith.constant 0 : i32
    %dma_start3A_55 = tpu.memref_slice %arg13[%dma_start3A_53, %dma_start3A_54] : memref<4x128xf32, #tpu.memory_space<vmem>> -> memref<1x128xf32, #tpu.memory_space<vmem>>
    %dma_start3A_56 = tpu.memref_squeeze %dma_start3A_55 : memref<1x128xf32, #tpu.memory_space<vmem>> -> memref<128xf32, #tpu.memory_space<vmem>>
    %dma_start3A_57 = arith.constant 0 : i32
    %dma_start3A_58 = tpu.memref_slice %arg10[%dma_start3A_52, %dma_start3A_57] : memref<4x128xi32, #tpu.memory_space<vmem>> -> memref<1x128xi32, #tpu.memory_space<vmem>>
    %dma_start3A_59 = tpu.memref_squeeze %dma_start3A_58 : memref<1x128xi32, #tpu.memory_space<vmem>> -> memref<128xi32, #tpu.memory_space<vmem>>
    %dma_start3A_60 = arith.constant 0 : i32
    %dma_start3A_61 = tpu.memref_slice %arg4[%dma_start3A_60] : memref<50000xf32, #tpu.memory_space<hbm>> -> memref<50000xf32, #tpu.memory_space<hbm>>
    tpu.enqueue_indirect_dma source(%dma_start3A_61 : memref<50000xf32, #tpu.memory_space<hbm>>) target(%dma_start3A_56 : memref<128xf32, #tpu.memory_space<vmem>>) offsets(%dma_start3A_59 : memref<128xi32, #tpu.memory_space<vmem>>) semaphore(%arg17 : memref<!tpu.dma_semaphore, #tpu.memory_space<semaphore_mem>>)
    %dma_start3A_62 = arith.constant 2 : i32
    %dma_start3A_63 = arith.constant 2 : i32
    %dma_start3A_64 = arith.constant 0 : i32
    %dma_start3A_65 = tpu.memref_slice %arg13[%dma_start3A_63, %dma_start3A_64] : memref<4x128xf32, #tpu.memory_space<vmem>> -> memref<1x128xf32, #tpu.memory_space<vmem>>
    %dma_start3A_66 = tpu.memref_squeeze %dma_start3A_65 : memref<1x128xf32, #tpu.memory_space<vmem>> -> memref<128xf32, #tpu.memory_space<vmem>>
    %dma_start3A_67 = arith.constant 0 : i32
    %dma_start3A_68 = tpu.memref_slice %arg10[%dma_start3A_62, %dma_start3A_67] : memref<4x128xi32, #tpu.memory_space<vmem>> -> memref<1x128xi32, #tpu.memory_space<vmem>>
    %dma_start3A_69 = tpu.memref_squeeze %dma_start3A_68 : memref<1x128xi32, #tpu.memory_space<vmem>> -> memref<128xi32, #tpu.memory_space<vmem>>
    %dma_start3A_70 = arith.constant 0 : i32
    %dma_start3A_71 = tpu.memref_slice %arg4[%dma_start3A_70] : memref<50000xf32, #tpu.memory_space<hbm>> -> memref<50000xf32, #tpu.memory_space<hbm>>
    tpu.enqueue_indirect_dma source(%dma_start3A_71 : memref<50000xf32, #tpu.memory_space<hbm>>) target(%dma_start3A_66 : memref<128xf32, #tpu.memory_space<vmem>>) offsets(%dma_start3A_69 : memref<128xi32, #tpu.memory_space<vmem>>) semaphore(%arg17 : memref<!tpu.dma_semaphore, #tpu.memory_space<semaphore_mem>>)
    %dma_start3A_72 = arith.constant 3 : i32
    %dma_start3A_73 = arith.constant 3 : i32
    %dma_start3A_74 = arith.constant 0 : i32
    %dma_start3A_75 = tpu.memref_slice %arg13[%dma_start3A_73, %dma_start3A_74] : memref<4x128xf32, #tpu.memory_space<vmem>> -> memref<1x128xf32, #tpu.memory_space<vmem>>
    %dma_start3A_76 = tpu.memref_squeeze %dma_start3A_75 : memref<1x128xf32, #tpu.memory_space<vmem>> -> memref<128xf32, #tpu.memory_space<vmem>>
    %dma_start3A_77 = arith.constant 0 : i32
    %dma_start3A_78 = tpu.memref_slice %arg10[%dma_start3A_72, %dma_start3A_77] : memref<4x128xi32, #tpu.memory_space<vmem>> -> memref<1x128xi32, #tpu.memory_space<vmem>>
    %dma_start3A_79 = tpu.memref_squeeze %dma_start3A_78 : memref<1x128xi32, #tpu.memory_space<vmem>> -> memref<128xi32, #tpu.memory_space<vmem>>
    %dma_start3A_80 = arith.constant 0 : i32
    %dma_start3A_81 = tpu.memref_slice %arg4[%dma_start3A_80] : memref<50000xf32, #tpu.memory_space<hbm>> -> memref<50000xf32, #tpu.memory_space<hbm>>
    tpu.enqueue_indirect_dma source(%dma_start3A_81 : memref<50000xf32, #tpu.memory_space<hbm>>) target(%dma_start3A_76 : memref<128xf32, #tpu.memory_space<vmem>>) offsets(%dma_start3A_79 : memref<128xi32, #tpu.memory_space<vmem>>) semaphore(%arg17 : memref<!tpu.dma_semaphore, #tpu.memory_space<semaphore_mem>>)
    %dma_start3A_82 = arith.constant 0 : i32
    %dma_start3A_83 = arith.constant 0 : i32
    %dma_start3A_84 = tpu.memref_slice %arg3[%dma_start3A_82, %dma_start3A_83] : memref<50000x128xf32, #tpu.memory_space<hbm>> -> memref<50000x128xf32, #tpu.memory_space<hbm>>
    tpu.enqueue_indirect_dma source(%dma_start3A_84 : memref<50000x128xf32, #tpu.memory_space<hbm>>) target(%arg14 : memref<8x128xf32, #tpu.memory_space<vmem>>) offsets(%arg11 : memref<8xi32, #tpu.memory_space<vmem>>) semaphore(%arg17 : memref<!tpu.dma_semaphore, #tpu.memory_space<semaphore_mem>>)
    %dma_start3A_85 = arith.constant 0 : i32
    %dma_start3A_86 = tpu.memref_slice %arg4[%dma_start3A_85] : memref<50000xf32, #tpu.memory_space<hbm>> -> memref<50000xf32, #tpu.memory_space<hbm>>
    tpu.enqueue_indirect_dma source(%dma_start3A_86 : memref<50000xf32, #tpu.memory_space<hbm>>) target(%arg15 : memref<8xf32, #tpu.memory_space<vmem>>) offsets(%arg11 : memref<8xi32, #tpu.memory_space<vmem>>) semaphore(%arg17 : memref<!tpu.dma_semaphore, #tpu.memory_space<semaphore_mem>>)
    %dma_wait3A = arith.constant 0 : i32
    %dma_wait3A_87 = arith.constant 0 : i32
    %dma_wait3A_88 = arith.constant 0 : i32
    %dma_wait3A_89 = tpu.memref_slice %arg12[%dma_wait3A_87, %dma_wait3A_88] : memref<512x128xf32, #tpu.memory_space<vmem>> -> memref<128x128xf32, #tpu.memory_space<vmem>>
    %dma_wait3A_90 = arith.constant 0 : i32
    %dma_wait3A_91 = tpu.memref_slice %arg10[%dma_wait3A, %dma_wait3A_90] : memref<4x128xi32, #tpu.memory_space<vmem>> -> memref<1x128xi32, #tpu.memory_space<vmem>>
    %dma_wait3A_92 = tpu.memref_squeeze %dma_wait3A_91 : memref<1x128xi32, #tpu.memory_space<vmem>> -> memref<128xi32, #tpu.memory_space<vmem>>
    %dma_wait3A_93 = arith.constant 0 : i32
    %dma_wait3A_94 = arith.constant 0 : i32
    %dma_wait3A_95 = tpu.memref_slice %arg3[%dma_wait3A_93, %dma_wait3A_94] : memref<50000x128xf32, #tpu.memory_space<hbm>> -> memref<50000x128xf32, #tpu.memory_space<hbm>>
    tpu.wait_indirect_dma semaphore(%arg16 : memref<!tpu.dma_semaphore, #tpu.memory_space<semaphore_mem>>) src(%dma_wait3A_95 : memref<50000x128xf32, #tpu.memory_space<hbm>>) dst(%dma_wait3A_89 : memref<128x128xf32, #tpu.memory_space<vmem>>)
    %dma_wait3A_96 = arith.constant 1 : i32
    %dma_wait3A_97 = arith.constant 128 : i32
    %dma_wait3A_98 = arith.constant 0 : i32
    %dma_wait3A_99 = tpu.memref_slice %arg12[%dma_wait3A_97, %dma_wait3A_98] : memref<512x128xf32, #tpu.memory_space<vmem>> -> memref<128x128xf32, #tpu.memory_space<vmem>>
    %dma_wait3A_100 = arith.constant 0 : i32
    %dma_wait3A_101 = tpu.memref_slice %arg10[%dma_wait3A_96, %dma_wait3A_100] : memref<4x128xi32, #tpu.memory_space<vmem>> -> memref<1x128xi32, #tpu.memory_space<vmem>>
    %dma_wait3A_102 = tpu.memref_squeeze %dma_wait3A_101 : memref<1x128xi32, #tpu.memory_space<vmem>> -> memref<128xi32, #tpu.memory_space<vmem>>
    %dma_wait3A_103 = arith.constant 0 : i32
    %dma_wait3A_104 = arith.constant 0 : i32
    %dma_wait3A_105 = tpu.memref_slice %arg3[%dma_wait3A_103, %dma_wait3A_104] : memref<50000x128xf32, #tpu.memory_space<hbm>> -> memref<50000x128xf32, #tpu.memory_space<hbm>>
    tpu.wait_indirect_dma semaphore(%arg16 : memref<!tpu.dma_semaphore, #tpu.memory_space<semaphore_mem>>) src(%dma_wait3A_105 : memref<50000x128xf32, #tpu.memory_space<hbm>>) dst(%dma_wait3A_99 : memref<128x128xf32, #tpu.memory_space<vmem>>)
    %dma_wait3A_106 = arith.constant 2 : i32
    %dma_wait3A_107 = arith.constant 256 : i32
    %dma_wait3A_108 = arith.constant 0 : i32
    %dma_wait3A_109 = tpu.memref_slice %arg12[%dma_wait3A_107, %dma_wait3A_108] : memref<512x128xf32, #tpu.memory_space<vmem>> -> memref<128x128xf32, #tpu.memory_space<vmem>>
    %dma_wait3A_110 = arith.constant 0 : i32
    %dma_wait3A_111 = tpu.memref_slice %arg10[%dma_wait3A_106, %dma_wait3A_110] : memref<4x128xi32, #tpu.memory_space<vmem>> -> memref<1x128xi32, #tpu.memory_space<vmem>>
    %dma_wait3A_112 = tpu.memref_squeeze %dma_wait3A_111 : memref<1x128xi32, #tpu.memory_space<vmem>> -> memref<128xi32, #tpu.memory_space<vmem>>
    %dma_wait3A_113 = arith.constant 0 : i32
    %dma_wait3A_114 = arith.constant 0 : i32
    %dma_wait3A_115 = tpu.memref_slice %arg3[%dma_wait3A_113, %dma_wait3A_114] : memref<50000x128xf32, #tpu.memory_space<hbm>> -> memref<50000x128xf32, #tpu.memory_space<hbm>>
    tpu.wait_indirect_dma semaphore(%arg16 : memref<!tpu.dma_semaphore, #tpu.memory_space<semaphore_mem>>) src(%dma_wait3A_115 : memref<50000x128xf32, #tpu.memory_space<hbm>>) dst(%dma_wait3A_109 : memref<128x128xf32, #tpu.memory_space<vmem>>)
    %dma_wait3A_116 = arith.constant 3 : i32
    %dma_wait3A_117 = arith.constant 384 : i32
    %dma_wait3A_118 = arith.constant 0 : i32
    %dma_wait3A_119 = tpu.memref_slice %arg12[%dma_wait3A_117, %dma_wait3A_118] : memref<512x128xf32, #tpu.memory_space<vmem>> -> memref<128x128xf32, #tpu.memory_space<vmem>>
    %dma_wait3A_120 = arith.constant 0 : i32
    %dma_wait3A_121 = tpu.memref_slice %arg10[%dma_wait3A_116, %dma_wait3A_120] : memref<4x128xi32, #tpu.memory_space<vmem>> -> memref<1x128xi32, #tpu.memory_space<vmem>>
    %dma_wait3A_122 = tpu.memref_squeeze %dma_wait3A_121 : memref<1x128xi32, #tpu.memory_space<vmem>> -> memref<128xi32, #tpu.memory_space<vmem>>
    %dma_wait3A_123 = arith.constant 0 : i32
    %dma_wait3A_124 = arith.constant 0 : i32
    %dma_wait3A_125 = tpu.memref_slice %arg3[%dma_wait3A_123, %dma_wait3A_124] : memref<50000x128xf32, #tpu.memory_space<hbm>> -> memref<50000x128xf32, #tpu.memory_space<hbm>>
    tpu.wait_indirect_dma semaphore(%arg16 : memref<!tpu.dma_semaphore, #tpu.memory_space<semaphore_mem>>) src(%dma_wait3A_125 : memref<50000x128xf32, #tpu.memory_space<hbm>>) dst(%dma_wait3A_119 : memref<128x128xf32, #tpu.memory_space<vmem>>)
    "tpu.region"() ({
      %run_scoped3A = tpu.sem_alloc : memref<!tpu.dma_semaphore, #tpu.memory_space<semaphore_mem>>
      %dma_start3A_173 = arith.constant 0 : i32
      %dma_start3A_174 = tpu.memref_slice %arg6[%mul3A_2, %dma_start3A_173] : memref<16384x128xf32, #tpu.memory_space<hbm>> -> memref<512x128xf32, #tpu.memory_space<hbm>>
      %dma_start3A_175 = arith.constant 0 : i32
      %dma_start3A_176 = tpu.memref_slice %arg6[%mul3A_2, %dma_start3A_175] : memref<16384x128xf32, #tpu.memory_space<hbm>> -> memref<512x128xf32, #tpu.memory_space<hbm>>
      tpu.enqueue_dma source(%arg12 : memref<512x128xf32, #tpu.memory_space<vmem>>) target(%dma_start3A_176 : memref<512x128xf32, #tpu.memory_space<hbm>>) target_semaphore(%run_scoped3A : memref<!tpu.dma_semaphore, #tpu.memory_space<semaphore_mem>>)
      %dma_wait3A_177 = arith.constant 0 : i32
      %dma_wait3A_178 = tpu.memref_slice %arg6[%mul3A_2, %dma_wait3A_177] : memref<16384x128xf32, #tpu.memory_space<hbm>> -> memref<512x128xf32, #tpu.memory_space<hbm>>
      %dma_wait3A_179 = arith.constant 0 : i32
      %dma_wait3A_180 = tpu.memref_slice %arg6[%mul3A_2, %dma_wait3A_179] : memref<16384x128xf32, #tpu.memory_space<hbm>> -> memref<512x128xf32, #tpu.memory_space<hbm>>
      tpu.wait_dma2 semaphore(%run_scoped3A : memref<!tpu.dma_semaphore, #tpu.memory_space<semaphore_mem>>) src(%arg12 : memref<512x128xf32, #tpu.memory_space<vmem>>) dst(%dma_wait3A_180 : memref<512x128xf32, #tpu.memory_space<hbm>>)
      tpu.yield
    }) : () -> ()
    %dma_wait3A_126 = arith.constant 0 : i32
    %dma_wait3A_127 = arith.constant 0 : i32
    %dma_wait3A_128 = arith.constant 0 : i32
    %dma_wait3A_129 = tpu.memref_slice %arg13[%dma_wait3A_127, %dma_wait3A_128] : memref<4x128xf32, #tpu.memory_space<vmem>> -> memref<1x128xf32, #tpu.memory_space<vmem>>
    %dma_wait3A_130 = tpu.memref_squeeze %dma_wait3A_129 : memref<1x128xf32, #tpu.memory_space<vmem>> -> memref<128xf32, #tpu.memory_space<vmem>>
    %dma_wait3A_131 = arith.constant 0 : i32
    %dma_wait3A_132 = tpu.memref_slice %arg10[%dma_wait3A_126, %dma_wait3A_131] : memref<4x128xi32, #tpu.memory_space<vmem>> -> memref<1x128xi32, #tpu.memory_space<vmem>>
    %dma_wait3A_133 = tpu.memref_squeeze %dma_wait3A_132 : memref<1x128xi32, #tpu.memory_space<vmem>> -> memref<128xi32, #tpu.memory_space<vmem>>
    %dma_wait3A_134 = arith.constant 0 : i32
    %dma_wait3A_135 = tpu.memref_slice %arg4[%dma_wait3A_134] : memref<50000xf32, #tpu.memory_space<hbm>> -> memref<50000xf32, #tpu.memory_space<hbm>>
    tpu.wait_indirect_dma semaphore(%arg17 : memref<!tpu.dma_semaphore, #tpu.memory_space<semaphore_mem>>) src(%dma_wait3A_135 : memref<50000xf32, #tpu.memory_space<hbm>>) dst(%dma_wait3A_130 : memref<128xf32, #tpu.memory_space<vmem>>)
    %dma_wait3A_136 = arith.constant 1 : i32
    %dma_wait3A_137 = arith.constant 1 : i32
    %dma_wait3A_138 = arith.constant 0 : i32
    %dma_wait3A_139 = tpu.memref_slice %arg13[%dma_wait3A_137, %dma_wait3A_138] : memref<4x128xf32, #tpu.memory_space<vmem>> -> memref<1x128xf32, #tpu.memory_space<vmem>>
    %dma_wait3A_140 = tpu.memref_squeeze %dma_wait3A_139 : memref<1x128xf32, #tpu.memory_space<vmem>> -> memref<128xf32, #tpu.memory_space<vmem>>
    %dma_wait3A_141 = arith.constant 0 : i32
    %dma_wait3A_142 = tpu.memref_slice %arg10[%dma_wait3A_136, %dma_wait3A_141] : memref<4x128xi32, #tpu.memory_space<vmem>> -> memref<1x128xi32, #tpu.memory_space<vmem>>
    %dma_wait3A_143 = tpu.memref_squeeze %dma_wait3A_142 : memref<1x128xi32, #tpu.memory_space<vmem>> -> memref<128xi32, #tpu.memory_space<vmem>>
    %dma_wait3A_144 = arith.constant 0 : i32
    %dma_wait3A_145 = tpu.memref_slice %arg4[%dma_wait3A_144] : memref<50000xf32, #tpu.memory_space<hbm>> -> memref<50000xf32, #tpu.memory_space<hbm>>
    tpu.wait_indirect_dma semaphore(%arg17 : memref<!tpu.dma_semaphore, #tpu.memory_space<semaphore_mem>>) src(%dma_wait3A_145 : memref<50000xf32, #tpu.memory_space<hbm>>) dst(%dma_wait3A_140 : memref<128xf32, #tpu.memory_space<vmem>>)
    %dma_wait3A_146 = arith.constant 2 : i32
    %dma_wait3A_147 = arith.constant 2 : i32
    %dma_wait3A_148 = arith.constant 0 : i32
    %dma_wait3A_149 = tpu.memref_slice %arg13[%dma_wait3A_147, %dma_wait3A_148] : memref<4x128xf32, #tpu.memory_space<vmem>> -> memref<1x128xf32, #tpu.memory_space<vmem>>
    %dma_wait3A_150 = tpu.memref_squeeze %dma_wait3A_149 : memref<1x128xf32, #tpu.memory_space<vmem>> -> memref<128xf32, #tpu.memory_space<vmem>>
    %dma_wait3A_151 = arith.constant 0 : i32
    %dma_wait3A_152 = tpu.memref_slice %arg10[%dma_wait3A_146, %dma_wait3A_151] : memref<4x128xi32, #tpu.memory_space<vmem>> -> memref<1x128xi32, #tpu.memory_space<vmem>>
    %dma_wait3A_153 = tpu.memref_squeeze %dma_wait3A_152 : memref<1x128xi32, #tpu.memory_space<vmem>> -> memref<128xi32, #tpu.memory_space<vmem>>
    %dma_wait3A_154 = arith.constant 0 : i32
    %dma_wait3A_155 = tpu.memref_slice %arg4[%dma_wait3A_154] : memref<50000xf32, #tpu.memory_space<hbm>> -> memref<50000xf32, #tpu.memory_space<hbm>>
    tpu.wait_indirect_dma semaphore(%arg17 : memref<!tpu.dma_semaphore, #tpu.memory_space<semaphore_mem>>) src(%dma_wait3A_155 : memref<50000xf32, #tpu.memory_space<hbm>>) dst(%dma_wait3A_150 : memref<128xf32, #tpu.memory_space<vmem>>)
    %dma_wait3A_156 = arith.constant 3 : i32
    %dma_wait3A_157 = arith.constant 3 : i32
    %dma_wait3A_158 = arith.constant 0 : i32
    %dma_wait3A_159 = tpu.memref_slice %arg13[%dma_wait3A_157, %dma_wait3A_158] : memref<4x128xf32, #tpu.memory_space<vmem>> -> memref<1x128xf32, #tpu.memory_space<vmem>>
    %dma_wait3A_160 = tpu.memref_squeeze %dma_wait3A_159 : memref<1x128xf32, #tpu.memory_space<vmem>> -> memref<128xf32, #tpu.memory_space<vmem>>
    %dma_wait3A_161 = arith.constant 0 : i32
    %dma_wait3A_162 = tpu.memref_slice %arg10[%dma_wait3A_156, %dma_wait3A_161] : memref<4x128xi32, #tpu.memory_space<vmem>> -> memref<1x128xi32, #tpu.memory_space<vmem>>
    %dma_wait3A_163 = tpu.memref_squeeze %dma_wait3A_162 : memref<1x128xi32, #tpu.memory_space<vmem>> -> memref<128xi32, #tpu.memory_space<vmem>>
    %dma_wait3A_164 = arith.constant 0 : i32
    %dma_wait3A_165 = tpu.memref_slice %arg4[%dma_wait3A_164] : memref<50000xf32, #tpu.memory_space<hbm>> -> memref<50000xf32, #tpu.memory_space<hbm>>
    tpu.wait_indirect_dma semaphore(%arg17 : memref<!tpu.dma_semaphore, #tpu.memory_space<semaphore_mem>>) src(%dma_wait3A_165 : memref<50000xf32, #tpu.memory_space<hbm>>) dst(%dma_wait3A_160 : memref<128xf32, #tpu.memory_space<vmem>>)
    %dma_wait3A_166 = arith.constant 0 : i32
    %dma_wait3A_167 = arith.constant 0 : i32
    %dma_wait3A_168 = tpu.memref_slice %arg3[%dma_wait3A_166, %dma_wait3A_167] : memref<50000x128xf32, #tpu.memory_space<hbm>> -> memref<50000x128xf32, #tpu.memory_space<hbm>>
    tpu.wait_indirect_dma semaphore(%arg17 : memref<!tpu.dma_semaphore, #tpu.memory_space<semaphore_mem>>) src(%dma_wait3A_168 : memref<50000x128xf32, #tpu.memory_space<hbm>>) dst(%arg14 : memref<8x128xf32, #tpu.memory_space<vmem>>)
    %dma_wait3A_169 = arith.constant 0 : i32
    %dma_wait3A_170 = tpu.memref_slice %arg4[%dma_wait3A_169] : memref<50000xf32, #tpu.memory_space<hbm>> -> memref<50000xf32, #tpu.memory_space<hbm>>
    tpu.wait_indirect_dma semaphore(%arg17 : memref<!tpu.dma_semaphore, #tpu.memory_space<semaphore_mem>>) src(%dma_wait3A_170 : memref<50000xf32, #tpu.memory_space<hbm>>) dst(%arg15 : memref<8xf32, #tpu.memory_space<vmem>>)
    "tpu.region"() ({
      %run_scoped3A = tpu.sem_alloc : memref<!tpu.dma_semaphore, #tpu.memory_space<semaphore_mem>>
      %dma_start3A_173 = arith.constant 0 : i32
      %dma_start3A_174 = arith.constant 0 : i32
      %dma_start3A_175 = tpu.memref_slice %arg7[%add3A, %dma_start3A_173, %dma_start3A_174] : memref<32x4x128xf32, #tpu.memory_space<hbm>> -> memref<1x4x128xf32, #tpu.memory_space<hbm>>
      %dma_start3A_176 = tpu.memref_squeeze %dma_start3A_175 : memref<1x4x128xf32, #tpu.memory_space<hbm>> -> memref<4x128xf32, #tpu.memory_space<hbm>>
      %dma_start3A_177 = arith.constant 0 : i32
      %dma_start3A_178 = arith.constant 0 : i32
      %dma_start3A_179 = tpu.memref_slice %arg7[%add3A, %dma_start3A_177, %dma_start3A_178] : memref<32x4x128xf32, #tpu.memory_space<hbm>> -> memref<1x4x128xf32, #tpu.memory_space<hbm>>
      %dma_start3A_180 = tpu.memref_squeeze %dma_start3A_179 : memref<1x4x128xf32, #tpu.memory_space<hbm>> -> memref<4x128xf32, #tpu.memory_space<hbm>>
      tpu.enqueue_dma source(%arg13 : memref<4x128xf32, #tpu.memory_space<vmem>>) target(%dma_start3A_180 : memref<4x128xf32, #tpu.memory_space<hbm>>) target_semaphore(%run_scoped3A : memref<!tpu.dma_semaphore, #tpu.memory_space<semaphore_mem>>)
      %dma_wait3A_181 = arith.constant 0 : i32
      %dma_wait3A_182 = arith.constant 0 : i32
      %dma_wait3A_183 = tpu.memref_slice %arg7[%add3A, %dma_wait3A_181, %dma_wait3A_182] : memref<32x4x128xf32, #tpu.memory_space<hbm>> -> memref<1x4x128xf32, #tpu.memory_space<hbm>>
      %dma_wait3A_184 = tpu.memref_squeeze %dma_wait3A_183 : memref<1x4x128xf32, #tpu.memory_space<hbm>> -> memref<4x128xf32, #tpu.memory_space<hbm>>
      %dma_wait3A_185 = arith.constant 0 : i32
      %dma_wait3A_186 = arith.constant 0 : i32
      %dma_wait3A_187 = tpu.memref_slice %arg7[%add3A, %dma_wait3A_185, %dma_wait3A_186] : memref<32x4x128xf32, #tpu.memory_space<hbm>> -> memref<1x4x128xf32, #tpu.memory_space<hbm>>
      %dma_wait3A_188 = tpu.memref_squeeze %dma_wait3A_187 : memref<1x4x128xf32, #tpu.memory_space<hbm>> -> memref<4x128xf32, #tpu.memory_space<hbm>>
      tpu.wait_dma2 semaphore(%run_scoped3A : memref<!tpu.dma_semaphore, #tpu.memory_space<semaphore_mem>>) src(%arg13 : memref<4x128xf32, #tpu.memory_space<vmem>>) dst(%dma_wait3A_188 : memref<4x128xf32, #tpu.memory_space<hbm>>)
      tpu.yield
    }) : () -> ()
    %mul3A_171 = arith.constant 8 : i32
    %mul3A_172 = arith.muli %add3A, %mul3A_171 : i32
    "tpu.region"() ({
      %run_scoped3A = tpu.sem_alloc : memref<!tpu.dma_semaphore, #tpu.memory_space<semaphore_mem>>
      %dma_start3A_173 = arith.constant 0 : i32
      %dma_start3A_174 = tpu.memref_slice %arg8[%mul3A_172, %dma_start3A_173] : memref<256x128xf32, #tpu.memory_space<hbm>> -> memref<8x128xf32, #tpu.memory_space<hbm>>
      %dma_start3A_175 = arith.constant 0 : i32
      %dma_start3A_176 = tpu.memref_slice %arg8[%mul3A_172, %dma_start3A_175] : memref<256x128xf32, #tpu.memory_space<hbm>> -> memref<8x128xf32, #tpu.memory_space<hbm>>
      tpu.enqueue_dma source(%arg14 : memref<8x128xf32, #tpu.memory_space<vmem>>) target(%dma_start3A_176 : memref<8x128xf32, #tpu.memory_space<hbm>>) target_semaphore(%run_scoped3A : memref<!tpu.dma_semaphore, #tpu.memory_space<semaphore_mem>>)
      %dma_wait3A_177 = arith.constant 0 : i32
      %dma_wait3A_178 = tpu.memref_slice %arg8[%mul3A_172, %dma_wait3A_177] : memref<256x128xf32, #tpu.memory_space<hbm>> -> memref<8x128xf32, #tpu.memory_space<hbm>>
      %dma_wait3A_179 = arith.constant 0 : i32
      %dma_wait3A_180 = tpu.memref_slice %arg8[%mul3A_172, %dma_wait3A_179] : memref<256x128xf32, #tpu.memory_space<hbm>> -> memref<8x128xf32, #tpu.memory_space<hbm>>
      tpu.wait_dma2 semaphore(%run_scoped3A : memref<!tpu.dma_semaphore, #tpu.memory_space<semaphore_mem>>) src(%arg14 : memref<8x128xf32, #tpu.memory_space<vmem>>) dst(%dma_wait3A_180 : memref<8x128xf32, #tpu.memory_space<hbm>>)
      tpu.yield
    }) : () -> ()
    "tpu.region"() ({
      %run_scoped3A = tpu.sem_alloc : memref<!tpu.dma_semaphore, #tpu.memory_space<semaphore_mem>>
      %dma_start3A_173 = arith.constant 0 : i32
      %dma_start3A_174 = tpu.memref_slice %arg9[%add3A, %dma_start3A_173] : memref<32x8xf32, #tpu.memory_space<hbm>> -> memref<1x8xf32, #tpu.memory_space<hbm>>
      %dma_start3A_175 = tpu.memref_squeeze %dma_start3A_174 : memref<1x8xf32, #tpu.memory_space<hbm>> -> memref<8xf32, #tpu.memory_space<hbm>>
      %dma_start3A_176 = arith.constant 0 : i32
      %dma_start3A_177 = tpu.memref_slice %arg9[%add3A, %dma_start3A_176] : memref<32x8xf32, #tpu.memory_space<hbm>> -> memref<1x8xf32, #tpu.memory_space<hbm>>
      %dma_start3A_178 = tpu.memref_squeeze %dma_start3A_177 : memref<1x8xf32, #tpu.memory_space<hbm>> -> memref<8xf32, #tpu.memory_space<hbm>>
      tpu.enqueue_dma source(%arg15 : memref<8xf32, #tpu.memory_space<vmem>>) target(%dma_start3A_178 : memref<8xf32, #tpu.memory_space<hbm>>) target_semaphore(%run_scoped3A : memref<!tpu.dma_semaphore, #tpu.memory_space<semaphore_mem>>)
      %dma_wait3A_179 = arith.constant 0 : i32
      %dma_wait3A_180 = tpu.memref_slice %arg9[%add3A, %dma_wait3A_179] : memref<32x8xf32, #tpu.memory_space<hbm>> -> memref<1x8xf32, #tpu.memory_space<hbm>>
      %dma_wait3A_181 = tpu.memref_squeeze %dma_wait3A_180 : memref<1x8xf32, #tpu.memory_space<hbm>> -> memref<8xf32, #tpu.memory_space<hbm>>
      %dma_wait3A_182 = arith.constant 0 : i32
      %dma_wait3A_183 = tpu.memref_slice %arg9[%add3A, %dma_wait3A_182] : memref<32x8xf32, #tpu.memory_space<hbm>> -> memref<1x8xf32, #tpu.memory_space<hbm>>
      %dma_wait3A_184 = tpu.memref_squeeze %dma_wait3A_183 : memref<1x8xf32, #tpu.memory_space<hbm>> -> memref<8xf32, #tpu.memory_space<hbm>>
      tpu.wait_dma2 semaphore(%run_scoped3A : memref<!tpu.dma_semaphore, #tpu.memory_space<semaphore_mem>>) src(%arg15 : memref<8xf32, #tpu.memory_space<vmem>>) dst(%dma_wait3A_184 : memref<8xf32, #tpu.memory_space<hbm>>)
      tpu.yield
    }) : () -> ()
    return
  }
}

#map = affine_map<(d0, d1) -> (0, 0, 0)>
#map1 = affine_map<(d0, d1) -> (0, 0)>
module attributes {stable_mosaic.version = 14 : i64} {
  func.func @k(%arg0: i32, %arg1: i32, %arg2: memref<32x4x128xi32, #tpu.memory_space<hbm>>, %arg3: memref<50000x128xf32, #tpu.memory_space<hbm>>, %arg4: memref<16384x128xf32, #tpu.memory_space<hbm>>, %arg5: memref<4x128xi32, #tpu.memory_space<vmem>>, %arg6: memref<512x128xf32, #tpu.memory_space<vmem>>, %arg7: memref<!tpu.dma_semaphore, #tpu.memory_space<semaphore_mem>>) attributes {dimension_semantics = [#tpu.dimension_semantics<core_parallel>, #tpu.dimension_semantics<subcore_parallel>], iteration_bounds = array<i64: 2, 16>, scalar_prefetch = 0 : i64, scratch_operands = 3 : i64, tpu.core_type = #tpu.core_type<sc_vector_subcore>, window_params = [{transform_indices = #map}, {transform_indices = #map1}, {transform_indices = #map1}]} {
    %mul3A = arith.constant 2 : i32
    %mul3A_0 = arith.muli %arg1, %mul3A : i32
    %add3A = arith.addi %mul3A_0, %arg0 : i32
    %mul3A_1 = arith.constant 512 : i32
    %mul3A_2 = arith.muli %add3A, %mul3A_1 : i32
    "tpu.region"() ({
      %run_scoped3A = tpu.sem_alloc : memref<!tpu.dma_semaphore, #tpu.memory_space<semaphore_mem>>
      %dma_start3A_81 = arith.constant 0 : i32
      %dma_start3A_82 = arith.constant 0 : i32
      %dma_start3A_83 = tpu.memref_slice %arg2[%add3A, %dma_start3A_81, %dma_start3A_82] : memref<32x4x128xi32, #tpu.memory_space<hbm>> -> memref<1x4x128xi32, #tpu.memory_space<hbm>>
      %dma_start3A_84 = tpu.memref_squeeze %dma_start3A_83 : memref<1x4x128xi32, #tpu.memory_space<hbm>> -> memref<4x128xi32, #tpu.memory_space<hbm>>
      %dma_start3A_85 = arith.constant 0 : i32
      %dma_start3A_86 = arith.constant 0 : i32
      %dma_start3A_87 = tpu.memref_slice %arg2[%add3A, %dma_start3A_85, %dma_start3A_86] : memref<32x4x128xi32, #tpu.memory_space<hbm>> -> memref<1x4x128xi32, #tpu.memory_space<hbm>>
      %dma_start3A_88 = tpu.memref_squeeze %dma_start3A_87 : memref<1x4x128xi32, #tpu.memory_space<hbm>> -> memref<4x128xi32, #tpu.memory_space<hbm>>
      tpu.enqueue_dma source(%dma_start3A_88 : memref<4x128xi32, #tpu.memory_space<hbm>>) target(%arg5 : memref<4x128xi32, #tpu.memory_space<vmem>>) target_semaphore(%run_scoped3A : memref<!tpu.dma_semaphore, #tpu.memory_space<semaphore_mem>>)
      %dma_wait3A_89 = arith.constant 0 : i32
      %dma_wait3A_90 = arith.constant 0 : i32
      %dma_wait3A_91 = tpu.memref_slice %arg2[%add3A, %dma_wait3A_89, %dma_wait3A_90] : memref<32x4x128xi32, #tpu.memory_space<hbm>> -> memref<1x4x128xi32, #tpu.memory_space<hbm>>
      %dma_wait3A_92 = tpu.memref_squeeze %dma_wait3A_91 : memref<1x4x128xi32, #tpu.memory_space<hbm>> -> memref<4x128xi32, #tpu.memory_space<hbm>>
      %dma_wait3A_93 = arith.constant 0 : i32
      %dma_wait3A_94 = arith.constant 0 : i32
      %dma_wait3A_95 = tpu.memref_slice %arg2[%add3A, %dma_wait3A_93, %dma_wait3A_94] : memref<32x4x128xi32, #tpu.memory_space<hbm>> -> memref<1x4x128xi32, #tpu.memory_space<hbm>>
      %dma_wait3A_96 = tpu.memref_squeeze %dma_wait3A_95 : memref<1x4x128xi32, #tpu.memory_space<hbm>> -> memref<4x128xi32, #tpu.memory_space<hbm>>
      tpu.wait_dma2 semaphore(%run_scoped3A : memref<!tpu.dma_semaphore, #tpu.memory_space<semaphore_mem>>) src(%dma_wait3A_96 : memref<4x128xi32, #tpu.memory_space<hbm>>) dst(%arg5 : memref<4x128xi32, #tpu.memory_space<vmem>>)
      tpu.yield
    }) : () -> ()
    %dma_start3A = arith.constant 0 : i32
    %dma_start3A_3 = arith.constant 0 : i32
    %dma_start3A_4 = arith.constant 0 : i32
    %dma_start3A_5 = tpu.memref_slice %arg6[%dma_start3A_3, %dma_start3A_4] : memref<512x128xf32, #tpu.memory_space<vmem>> -> memref<128x128xf32, #tpu.memory_space<vmem>>
    %dma_start3A_6 = arith.constant 0 : i32
    %dma_start3A_7 = tpu.memref_slice %arg5[%dma_start3A, %dma_start3A_6] : memref<4x128xi32, #tpu.memory_space<vmem>> -> memref<1x128xi32, #tpu.memory_space<vmem>>
    %dma_start3A_8 = tpu.memref_squeeze %dma_start3A_7 : memref<1x128xi32, #tpu.memory_space<vmem>> -> memref<128xi32, #tpu.memory_space<vmem>>
    %dma_start3A_9 = arith.constant 0 : i32
    %dma_start3A_10 = arith.constant 0 : i32
    %dma_start3A_11 = tpu.memref_slice %arg3[%dma_start3A_9, %dma_start3A_10] : memref<50000x128xf32, #tpu.memory_space<hbm>> -> memref<50000x128xf32, #tpu.memory_space<hbm>>
    tpu.enqueue_indirect_dma source(%dma_start3A_11 : memref<50000x128xf32, #tpu.memory_space<hbm>>) target(%dma_start3A_5 : memref<128x128xf32, #tpu.memory_space<vmem>>) offsets(%dma_start3A_8 : memref<128xi32, #tpu.memory_space<vmem>>) semaphore(%arg7 : memref<!tpu.dma_semaphore, #tpu.memory_space<semaphore_mem>>)
    %dma_start3A_12 = arith.constant 1 : i32
    %dma_start3A_13 = arith.constant 128 : i32
    %dma_start3A_14 = arith.constant 0 : i32
    %dma_start3A_15 = tpu.memref_slice %arg6[%dma_start3A_13, %dma_start3A_14] : memref<512x128xf32, #tpu.memory_space<vmem>> -> memref<128x128xf32, #tpu.memory_space<vmem>>
    %dma_start3A_16 = arith.constant 0 : i32
    %dma_start3A_17 = tpu.memref_slice %arg5[%dma_start3A_12, %dma_start3A_16] : memref<4x128xi32, #tpu.memory_space<vmem>> -> memref<1x128xi32, #tpu.memory_space<vmem>>
    %dma_start3A_18 = tpu.memref_squeeze %dma_start3A_17 : memref<1x128xi32, #tpu.memory_space<vmem>> -> memref<128xi32, #tpu.memory_space<vmem>>
    %dma_start3A_19 = arith.constant 0 : i32
    %dma_start3A_20 = arith.constant 0 : i32
    %dma_start3A_21 = tpu.memref_slice %arg3[%dma_start3A_19, %dma_start3A_20] : memref<50000x128xf32, #tpu.memory_space<hbm>> -> memref<50000x128xf32, #tpu.memory_space<hbm>>
    tpu.enqueue_indirect_dma source(%dma_start3A_21 : memref<50000x128xf32, #tpu.memory_space<hbm>>) target(%dma_start3A_15 : memref<128x128xf32, #tpu.memory_space<vmem>>) offsets(%dma_start3A_18 : memref<128xi32, #tpu.memory_space<vmem>>) semaphore(%arg7 : memref<!tpu.dma_semaphore, #tpu.memory_space<semaphore_mem>>)
    %dma_start3A_22 = arith.constant 2 : i32
    %dma_start3A_23 = arith.constant 256 : i32
    %dma_start3A_24 = arith.constant 0 : i32
    %dma_start3A_25 = tpu.memref_slice %arg6[%dma_start3A_23, %dma_start3A_24] : memref<512x128xf32, #tpu.memory_space<vmem>> -> memref<128x128xf32, #tpu.memory_space<vmem>>
    %dma_start3A_26 = arith.constant 0 : i32
    %dma_start3A_27 = tpu.memref_slice %arg5[%dma_start3A_22, %dma_start3A_26] : memref<4x128xi32, #tpu.memory_space<vmem>> -> memref<1x128xi32, #tpu.memory_space<vmem>>
    %dma_start3A_28 = tpu.memref_squeeze %dma_start3A_27 : memref<1x128xi32, #tpu.memory_space<vmem>> -> memref<128xi32, #tpu.memory_space<vmem>>
    %dma_start3A_29 = arith.constant 0 : i32
    %dma_start3A_30 = arith.constant 0 : i32
    %dma_start3A_31 = tpu.memref_slice %arg3[%dma_start3A_29, %dma_start3A_30] : memref<50000x128xf32, #tpu.memory_space<hbm>> -> memref<50000x128xf32, #tpu.memory_space<hbm>>
    tpu.enqueue_indirect_dma source(%dma_start3A_31 : memref<50000x128xf32, #tpu.memory_space<hbm>>) target(%dma_start3A_25 : memref<128x128xf32, #tpu.memory_space<vmem>>) offsets(%dma_start3A_28 : memref<128xi32, #tpu.memory_space<vmem>>) semaphore(%arg7 : memref<!tpu.dma_semaphore, #tpu.memory_space<semaphore_mem>>)
    %dma_start3A_32 = arith.constant 3 : i32
    %dma_start3A_33 = arith.constant 384 : i32
    %dma_start3A_34 = arith.constant 0 : i32
    %dma_start3A_35 = tpu.memref_slice %arg6[%dma_start3A_33, %dma_start3A_34] : memref<512x128xf32, #tpu.memory_space<vmem>> -> memref<128x128xf32, #tpu.memory_space<vmem>>
    %dma_start3A_36 = arith.constant 0 : i32
    %dma_start3A_37 = tpu.memref_slice %arg5[%dma_start3A_32, %dma_start3A_36] : memref<4x128xi32, #tpu.memory_space<vmem>> -> memref<1x128xi32, #tpu.memory_space<vmem>>
    %dma_start3A_38 = tpu.memref_squeeze %dma_start3A_37 : memref<1x128xi32, #tpu.memory_space<vmem>> -> memref<128xi32, #tpu.memory_space<vmem>>
    %dma_start3A_39 = arith.constant 0 : i32
    %dma_start3A_40 = arith.constant 0 : i32
    %dma_start3A_41 = tpu.memref_slice %arg3[%dma_start3A_39, %dma_start3A_40] : memref<50000x128xf32, #tpu.memory_space<hbm>> -> memref<50000x128xf32, #tpu.memory_space<hbm>>
    tpu.enqueue_indirect_dma source(%dma_start3A_41 : memref<50000x128xf32, #tpu.memory_space<hbm>>) target(%dma_start3A_35 : memref<128x128xf32, #tpu.memory_space<vmem>>) offsets(%dma_start3A_38 : memref<128xi32, #tpu.memory_space<vmem>>) semaphore(%arg7 : memref<!tpu.dma_semaphore, #tpu.memory_space<semaphore_mem>>)
    %dma_wait3A = arith.constant 0 : i32
    %dma_wait3A_42 = arith.constant 0 : i32
    %dma_wait3A_43 = arith.constant 0 : i32
    %dma_wait3A_44 = tpu.memref_slice %arg6[%dma_wait3A_42, %dma_wait3A_43] : memref<512x128xf32, #tpu.memory_space<vmem>> -> memref<128x128xf32, #tpu.memory_space<vmem>>
    %dma_wait3A_45 = arith.constant 0 : i32
    %dma_wait3A_46 = tpu.memref_slice %arg5[%dma_wait3A, %dma_wait3A_45] : memref<4x128xi32, #tpu.memory_space<vmem>> -> memref<1x128xi32, #tpu.memory_space<vmem>>
    %dma_wait3A_47 = tpu.memref_squeeze %dma_wait3A_46 : memref<1x128xi32, #tpu.memory_space<vmem>> -> memref<128xi32, #tpu.memory_space<vmem>>
    %dma_wait3A_48 = arith.constant 0 : i32
    %dma_wait3A_49 = arith.constant 0 : i32
    %dma_wait3A_50 = tpu.memref_slice %arg3[%dma_wait3A_48, %dma_wait3A_49] : memref<50000x128xf32, #tpu.memory_space<hbm>> -> memref<50000x128xf32, #tpu.memory_space<hbm>>
    tpu.wait_indirect_dma semaphore(%arg7 : memref<!tpu.dma_semaphore, #tpu.memory_space<semaphore_mem>>) src(%dma_wait3A_50 : memref<50000x128xf32, #tpu.memory_space<hbm>>) dst(%dma_wait3A_44 : memref<128x128xf32, #tpu.memory_space<vmem>>)
    %dma_wait3A_51 = arith.constant 1 : i32
    %dma_wait3A_52 = arith.constant 128 : i32
    %dma_wait3A_53 = arith.constant 0 : i32
    %dma_wait3A_54 = tpu.memref_slice %arg6[%dma_wait3A_52, %dma_wait3A_53] : memref<512x128xf32, #tpu.memory_space<vmem>> -> memref<128x128xf32, #tpu.memory_space<vmem>>
    %dma_wait3A_55 = arith.constant 0 : i32
    %dma_wait3A_56 = tpu.memref_slice %arg5[%dma_wait3A_51, %dma_wait3A_55] : memref<4x128xi32, #tpu.memory_space<vmem>> -> memref<1x128xi32, #tpu.memory_space<vmem>>
    %dma_wait3A_57 = tpu.memref_squeeze %dma_wait3A_56 : memref<1x128xi32, #tpu.memory_space<vmem>> -> memref<128xi32, #tpu.memory_space<vmem>>
    %dma_wait3A_58 = arith.constant 0 : i32
    %dma_wait3A_59 = arith.constant 0 : i32
    %dma_wait3A_60 = tpu.memref_slice %arg3[%dma_wait3A_58, %dma_wait3A_59] : memref<50000x128xf32, #tpu.memory_space<hbm>> -> memref<50000x128xf32, #tpu.memory_space<hbm>>
    tpu.wait_indirect_dma semaphore(%arg7 : memref<!tpu.dma_semaphore, #tpu.memory_space<semaphore_mem>>) src(%dma_wait3A_60 : memref<50000x128xf32, #tpu.memory_space<hbm>>) dst(%dma_wait3A_54 : memref<128x128xf32, #tpu.memory_space<vmem>>)
    %dma_wait3A_61 = arith.constant 2 : i32
    %dma_wait3A_62 = arith.constant 256 : i32
    %dma_wait3A_63 = arith.constant 0 : i32
    %dma_wait3A_64 = tpu.memref_slice %arg6[%dma_wait3A_62, %dma_wait3A_63] : memref<512x128xf32, #tpu.memory_space<vmem>> -> memref<128x128xf32, #tpu.memory_space<vmem>>
    %dma_wait3A_65 = arith.constant 0 : i32
    %dma_wait3A_66 = tpu.memref_slice %arg5[%dma_wait3A_61, %dma_wait3A_65] : memref<4x128xi32, #tpu.memory_space<vmem>> -> memref<1x128xi32, #tpu.memory_space<vmem>>
    %dma_wait3A_67 = tpu.memref_squeeze %dma_wait3A_66 : memref<1x128xi32, #tpu.memory_space<vmem>> -> memref<128xi32, #tpu.memory_space<vmem>>
    %dma_wait3A_68 = arith.constant 0 : i32
    %dma_wait3A_69 = arith.constant 0 : i32
    %dma_wait3A_70 = tpu.memref_slice %arg3[%dma_wait3A_68, %dma_wait3A_69] : memref<50000x128xf32, #tpu.memory_space<hbm>> -> memref<50000x128xf32, #tpu.memory_space<hbm>>
    tpu.wait_indirect_dma semaphore(%arg7 : memref<!tpu.dma_semaphore, #tpu.memory_space<semaphore_mem>>) src(%dma_wait3A_70 : memref<50000x128xf32, #tpu.memory_space<hbm>>) dst(%dma_wait3A_64 : memref<128x128xf32, #tpu.memory_space<vmem>>)
    %dma_wait3A_71 = arith.constant 3 : i32
    %dma_wait3A_72 = arith.constant 384 : i32
    %dma_wait3A_73 = arith.constant 0 : i32
    %dma_wait3A_74 = tpu.memref_slice %arg6[%dma_wait3A_72, %dma_wait3A_73] : memref<512x128xf32, #tpu.memory_space<vmem>> -> memref<128x128xf32, #tpu.memory_space<vmem>>
    %dma_wait3A_75 = arith.constant 0 : i32
    %dma_wait3A_76 = tpu.memref_slice %arg5[%dma_wait3A_71, %dma_wait3A_75] : memref<4x128xi32, #tpu.memory_space<vmem>> -> memref<1x128xi32, #tpu.memory_space<vmem>>
    %dma_wait3A_77 = tpu.memref_squeeze %dma_wait3A_76 : memref<1x128xi32, #tpu.memory_space<vmem>> -> memref<128xi32, #tpu.memory_space<vmem>>
    %dma_wait3A_78 = arith.constant 0 : i32
    %dma_wait3A_79 = arith.constant 0 : i32
    %dma_wait3A_80 = tpu.memref_slice %arg3[%dma_wait3A_78, %dma_wait3A_79] : memref<50000x128xf32, #tpu.memory_space<hbm>> -> memref<50000x128xf32, #tpu.memory_space<hbm>>
    tpu.wait_indirect_dma semaphore(%arg7 : memref<!tpu.dma_semaphore, #tpu.memory_space<semaphore_mem>>) src(%dma_wait3A_80 : memref<50000x128xf32, #tpu.memory_space<hbm>>) dst(%dma_wait3A_74 : memref<128x128xf32, #tpu.memory_space<vmem>>)
    "tpu.region"() ({
      %run_scoped3A = tpu.sem_alloc : memref<!tpu.dma_semaphore, #tpu.memory_space<semaphore_mem>>
      %dma_start3A_81 = arith.constant 0 : i32
      %dma_start3A_82 = tpu.memref_slice %arg4[%mul3A_2, %dma_start3A_81] : memref<16384x128xf32, #tpu.memory_space<hbm>> -> memref<512x128xf32, #tpu.memory_space<hbm>>
      %dma_start3A_83 = arith.constant 0 : i32
      %dma_start3A_84 = tpu.memref_slice %arg4[%mul3A_2, %dma_start3A_83] : memref<16384x128xf32, #tpu.memory_space<hbm>> -> memref<512x128xf32, #tpu.memory_space<hbm>>
      tpu.enqueue_dma source(%arg6 : memref<512x128xf32, #tpu.memory_space<vmem>>) target(%dma_start3A_84 : memref<512x128xf32, #tpu.memory_space<hbm>>) target_semaphore(%run_scoped3A : memref<!tpu.dma_semaphore, #tpu.memory_space<semaphore_mem>>)
      %dma_wait3A_85 = arith.constant 0 : i32
      %dma_wait3A_86 = tpu.memref_slice %arg4[%mul3A_2, %dma_wait3A_85] : memref<16384x128xf32, #tpu.memory_space<hbm>> -> memref<512x128xf32, #tpu.memory_space<hbm>>
      %dma_wait3A_87 = arith.constant 0 : i32
      %dma_wait3A_88 = tpu.memref_slice %arg4[%mul3A_2, %dma_wait3A_87] : memref<16384x128xf32, #tpu.memory_space<hbm>> -> memref<512x128xf32, #tpu.memory_space<hbm>>
      tpu.wait_dma2 semaphore(%run_scoped3A : memref<!tpu.dma_semaphore, #tpu.memory_space<semaphore_mem>>) src(%arg6 : memref<512x128xf32, #tpu.memory_space<vmem>>) dst(%dma_wait3A_88 : memref<512x128xf32, #tpu.memory_space<hbm>>)
      tpu.yield
    }) : () -> ()
    return
  }
}

module attributes {stable_mosaic.version = 14 : i64} {
  func.func @_tp_body(%arg0: i32, %arg1: memref<64x16384xf32, #tpu.memory_space<vmem>>, %arg2: memref<16384x128xf32, #tpu.memory_space<vmem>>) attributes {dimension_semantics = [#tpu.dimension_semantics<arbitrary>], iteration_bounds = array<i64: 4>, scalar_prefetch = 0 : i64, scratch_operands = 0 : i64, tpu.core_type = #tpu.core_type<tc>, window_params = [{transform_indices = @transform_0, window_bounds = array<i64: 64, 16384>}, {transform_indices = @transform_1, window_bounds = array<i64: 16384, 128>}]} {
    %get3A = arith.constant 0 : index
    %get3A_0 = arith.constant 0 : index
    %get3A_1 = vector.load %arg1[%get3A, %get3A_0] : memref<64x16384xf32, #tpu.memory_space<vmem>>, vector<64x16384xf32>
    %transpose3A = tpu.transpose %get3A_1, [1, 0] : vector<64x16384xf32> -> vector<16384x64xf32>
    %swap3A = arith.constant 0 : index
    %swap3A_2 = arith.constant 0 : index
    %swap3A_3 = vector.load %arg2[%swap3A, %swap3A_2] : memref<16384x128xf32, #tpu.memory_space<vmem>>, vector<16384x64xf32>
    tpu.vector_store %arg2[%swap3A, %swap3A_2], %transpose3A {strides = array<i32>} : memref<16384x128xf32, #tpu.memory_space<vmem>>, vector<16384x64xf32>,
    return
  }
  func.func @transform_0(%arg0: i32) -> (i32, i32) {
    %c0_i32 = arith.constant 0 : i32
    %c0_i32_0 = arith.constant 0 : i32
    return %c0_i32, %arg0 : i32, i32
  }
  func.func @transform_1(%arg0: i32) -> (i32, i32) {
    %c0_i32 = arith.constant 0 : i32
    %c0_i32_0 = arith.constant 0 : i32
    return %arg0, %c0_i32 : i32, i32
  }
}

module attributes {stable_mosaic.version = 14 : i64} {
  func.func @_tc_body(%arg0: i32, %arg1: memref<2048x128xf32, #tpu.memory_space<vmem>>, %arg2: memref<2048x128xf32, #tpu.memory_space<vmem>>, %arg3: memref<1x1x2048xf32, #tpu.memory_space<vmem>>, %arg4: memref<1x1x2048xi32, #tpu.memory_space<vmem>>, %arg5: memref<64x256xbf16, #tpu.memory_space<vmem>>, %arg6: memref<1x256xbf16, #tpu.memory_space<vmem>>, %arg7: memref<1x1xf32, #tpu.memory_space<vmem>>) attributes {dimension_semantics = [#tpu.dimension_semantics<arbitrary>], iteration_bounds = array<i64: 8>, scalar_prefetch = 0 : i64, scratch_operands = 0 : i64, tpu.core_type = #tpu.core_type<tc>, window_params = [{transform_indices = @transform_0, window_bounds = array<i64: 2048, 128>}, {transform_indices = @transform_1, window_bounds = array<i64: 2048, 128>}, {transform_indices = @transform_2, window_bounds = array<i64: 1, 1, 2048>}, {transform_indices = @transform_3, window_bounds = array<i64: 1, 1, 2048>}, {pipeline_mode = #tpu.pipeline_mode<synchronous>, transform_indices = @transform_4, window_bounds = array<i64: 64, 256>}, {pipeline_mode = #tpu.pipeline_mode<synchronous>, transform_indices = @transform_5, window_bounds = array<i64: 1, 256>}, {pipeline_mode = #tpu.pipeline_mode<synchronous>, transform_indices = @transform_6, window_bounds = array<i64: 1, 1>}]} {
    %get3A = arith.constant 0 : index
    %get3A_0 = arith.constant 0 : index
    %get3A_1 = vector.load %arg1[%get3A, %get3A_0] : memref<2048x128xf32, #tpu.memory_space<vmem>>, vector<2048x64xf32>
    %convert_element_type3A = arith.truncf %get3A_1 : vector<2048x64xf32> to vector<2048x64xbf16>
    %get3A_2 = arith.constant 0 : index
    %get3A_3 = arith.constant 0 : index
    %get3A_4 = vector.load %arg5[%get3A_2, %get3A_3] : memref<64x256xbf16, #tpu.memory_space<vmem>>, vector<64x256xbf16>
    %dot_general3A = arith.constant dense<0.000000e+00> : vector<2048x256xf32>
    %dot_general3A_5 = tpu.matmul %convert_element_type3A, %get3A_4, %dot_general3A {dimension_numbers = #tpu.dot_dimension_numbers<[1], [0], [0], [1], [0, 0, 1, 1], [], []>, transpose_lhs_hint = false} : vector<2048x64xbf16>, vector<64x256xbf16>, vector<2048x256xf32> -> vector<2048x256xf32>
    %convert_element_type3A_6 = arith.truncf %dot_general3A_5 : vector<2048x256xf32> to vector<2048x256xbf16>
    %get3A_7 = arith.constant 0 : index
    %get3A_8 = arith.constant 0 : index
    %get3A_9 = vector.load %arg6[%get3A_7, %get3A_8] : memref<1x256xbf16, #tpu.memory_space<vmem>>, vector<1x256xbf16>
    %add3A = vector.broadcast %get3A_9 : vector<1x256xbf16> to vector<2048x256xbf16>
    %add3A_10 = arith.addf %convert_element_type3A_6, %add3A : vector<2048x256xbf16>
    %max3A = arith.constant 0.000000e+00 : bf16
    %max3A_11 = vector.broadcast %max3A : bf16 to vector<2048x256xbf16>
    %max3A_12 = arith.maximumf %add3A_10, %max3A_11 : vector<2048x256xbf16>
    %abs3A = math.absf %add3A_10 : vector<2048x256xbf16>
    %neg3A = arith.constant 0.000000e+00 : bf16
    %neg3A_13 = vector.broadcast %neg3A : bf16 to vector<2048x256xbf16>
    %neg3A_14 = arith.subf %neg3A_13, %abs3A : vector<2048x256xbf16>
    %exp3A = math.exp %neg3A_14 : vector<2048x256xbf16>
    %log1p3A = math.log1p %exp3A : vector<2048x256xbf16>
    %add3A_15 = arith.addf %max3A_12, %log1p3A : vector<2048x256xbf16>
    %convert_element_type3A_16 = arith.extf %add3A_15 : vector<2048x256xbf16> to vector<2048x256xf32>
    %reduce_sum3A = vector.shape_cast %convert_element_type3A_16 : vector<2048x256xf32> to vector<1x2048x256xf32>
    %reduce_sum3A_17 = arith.constant dense<0.000000e+00> : vector<1xf32>
    %reduce_sum3A_18 = vector.multi_reduction <add>, %reduce_sum3A, %reduce_sum3A_17 [1, 2] : vector<1x2048x256xf32> to vector<1xf32>
    %reduce_sum3A_19 = vector.shape_cast %reduce_sum3A_18 : vector<1xf32> to vector<1x1x1xf32>
    %reduce_sum3A_20 = vector.extract %reduce_sum3A_19[0, 0, 0] : f32 from vector<1x1x1xf32>
    %get3A_21 = arith.constant 0 : index
    %get3A_22 = arith.constant 0 : index
    %get3A_23 = vector.load %arg2[%get3A_21, %get3A_22] : memref<2048x128xf32, #tpu.memory_space<vmem>>, vector<2048x64xf32>
    %mul3A = arith.mulf %get3A_1, %get3A_23 : vector<2048x64xf32>
    %reduce_sum3A_24 = arith.constant dense<0.000000e+00> : vector<2048xf32>
    %reduce_sum3A_25 = vector.multi_reduction <add>, %mul3A, %reduce_sum3A_24 [1] : vector<2048x64xf32> to vector<2048xf32>
    %get3A_26 = arith.constant 0 : index
    %get3A_27 = arith.constant 0 : index
    %get3A_28 = arith.constant 0 : index
    %get3A_29 = vector.load %arg4[%get3A_26, %get3A_27, %get3A_28] : memref<1x1x2048xi32, #tpu.memory_space<vmem>>, vector<1x1x2048xi32>
    %get3A_30 = vector.shape_cast %get3A_29 : vector<1x1x2048xi32> to vector<2048xi32>
    %convert_element_type3A_31 = arith.sitofp %get3A_30 : vector<2048xi32> to vector<2048xf32>
    %add3A_32 = arith.constant 2.000000e+00 : f32
    %add3A_33 = vector.broadcast %add3A_32 : f32 to vector<2048xf32>
    %add3A_34 = arith.addf %convert_element_type3A_31, %add3A_33 : vector<2048xf32>
    %log3A = math.log %add3A_34 : vector<2048xf32>
    %add3A_35 = arith.constant 1.000000e+00 : f32
    %add3A_36 = vector.broadcast %add3A_35 : f32 to vector<2048xf32>
    %add3A_37 = arith.addf %convert_element_type3A_31, %add3A_36 : vector<2048xf32>
    %log3A_38 = math.log %add3A_37 : vector<2048xf32>
    %sub3A = arith.subf %log3A, %log3A_38 : vector<2048xf32>
    %mul3A_39 = arith.constant 2.560000e+02 : f32
    %mul3A_40 = vector.broadcast %mul3A_39 : f32 to vector<2048xf32>
    %mul3A_41 = arith.mulf %mul3A_40, %sub3A : vector<2048xf32>
    %div3A = arith.constant 10.8197985 : f32
    %div3A_42 = vector.broadcast %div3A : f32 to vector<2048xf32>
    %div3A_43 = arith.divf %mul3A_41, %div3A_42 : vector<2048xf32>
    %log3A_44 = math.log %div3A_43 : vector<2048xf32>
    %get3A_45 = arith.constant 0 : index
    %get3A_46 = arith.constant 0 : index
    %get3A_47 = arith.constant 0 : index
    %get3A_48 = vector.load %arg3[%get3A_45, %get3A_46, %get3A_47] : memref<1x1x2048xf32, #tpu.memory_space<vmem>>, vector<1x1x2048xf32>
    %get3A_49 = vector.shape_cast %get3A_48 : vector<1x1x2048xf32> to vector<2048xf32>
    %add3A_50 = arith.addf %reduce_sum3A_25, %get3A_49 : vector<2048xf32>
    %sub3A_51 = arith.subf %add3A_50, %log3A_44 : vector<2048xf32>
    %neg3A_52 = arith.constant 0.000000e+00 : f32
    %neg3A_53 = vector.broadcast %neg3A_52 : f32 to vector<2048xf32>
    %neg3A_54 = arith.subf %neg3A_53, %sub3A_51 : vector<2048xf32>
    %max3A_55 = arith.constant 0.000000e+00 : f32
    %max3A_56 = vector.broadcast %max3A_55 : f32 to vector<2048xf32>
    %max3A_57 = arith.maximumf %neg3A_54, %max3A_56 : vector<2048xf32>
    %abs3A_58 = math.absf %sub3A_51 : vector<2048xf32>
    %neg3A_59 = arith.constant 0.000000e+00 : f32
    %neg3A_60 = vector.broadcast %neg3A_59 : f32 to vector<2048xf32>
    %neg3A_61 = arith.subf %neg3A_60, %abs3A_58 : vector<2048xf32>
    %exp3A_62 = math.exp %neg3A_61 : vector<2048xf32>
    %log1p3A_63 = math.log1p %exp3A_62 : vector<2048xf32>
    %add3A_64 = arith.addf %max3A_57, %log1p3A_63 : vector<2048xf32>
    %reduce_sum3A_65 = vector.shape_cast %add3A_64 : vector<2048xf32> to vector<1x2048xf32>
    %reduce_sum3A_66 = arith.constant dense<0.000000e+00> : vector<1xf32>
    %reduce_sum3A_67 = vector.multi_reduction <add>, %reduce_sum3A_65, %reduce_sum3A_66 [1] : vector<1x2048xf32> to vector<1xf32>
    %reduce_sum3A_68 = vector.shape_cast %reduce_sum3A_67 : vector<1xf32> to vector<1x1xf32>
    %reduce_sum3A_69 = vector.extract %reduce_sum3A_68[0, 0] : f32 from vector<1x1xf32>
    %eq3A = arith.constant 0 : i32
    %eq3A_70 = arith.cmpi eq, %arg0, %eq3A : i32
    %convert_element_type3A_71 = arith.extui %eq3A_70 : i1 to i32
    %cond3A = arith.constant 0 : i32
    %cond3A_72 = arith.cmpi ne, %convert_element_type3A_71, %cond3A : i32
    scf.if %cond3A_72 {
      %broadcast_in_dim3A_85 = arith.constant 0.000000e+00 : f32
      %broadcast_in_dim3A_86 = vector.broadcast %broadcast_in_dim3A_85 : f32 to vector<1x1xf32>
      %swap3A_87 = arith.constant 0 : index
      %swap3A_88 = arith.constant 0 : index
      %swap3A_89 = vector.load %arg7[%swap3A_87, %swap3A_88] : memref<1x1xf32, #tpu.memory_space<vmem>>, vector<1x1xf32>
      tpu.vector_store %arg7[%swap3A_87, %swap3A_88], %broadcast_in_dim3A_86 {strides = array<i32>} : memref<1x1xf32, #tpu.memory_space<vmem>>, vector<1x1xf32>,
    } else {
    }
    %get3A_73 = arith.constant 0 : index
    %get3A_74 = arith.constant 0 : index
    %get3A_75 = vector.load %arg7[%get3A_73, %get3A_74] : memref<1x1xf32, #tpu.memory_space<vmem>>, vector<1x1xf32>
    %add3A_76 = arith.addf %reduce_sum3A_20, %reduce_sum3A_69 : f32
    %broadcast_in_dim3A = vector.broadcast %add3A_76 : f32 to vector<1x1xf32>
    %add3A_77 = arith.addf %get3A_75, %broadcast_in_dim3A : vector<1x1xf32>
    %swap3A = arith.constant 0 : index
    %swap3A_78 = arith.constant 0 : index
    %swap3A_79 = vector.load %arg7[%swap3A, %swap3A_78] : memref<1x1xf32, #tpu.memory_space<vmem>>, vector<1x1xf32>
    tpu.vector_store %arg7[%swap3A, %swap3A_78], %add3A_77 {strides = array<i32>} : memref<1x1xf32, #tpu.memory_space<vmem>>, vector<1x1xf32>,
    %eq3A_80 = arith.constant 7 : i32
    %eq3A_81 = arith.cmpi eq, %arg0, %eq3A_80 : i32
    %convert_element_type3A_82 = arith.extui %eq3A_81 : i1 to i32
    %cond3A_83 = arith.constant 0 : i32
    %cond3A_84 = arith.cmpi ne, %convert_element_type3A_82, %cond3A_83 : i32
    scf.if %cond3A_84 {
      %get3A_85 = arith.constant 0 : index
      %get3A_86 = arith.constant 0 : index
      %get3A_87 = vector.load %arg7[%get3A_85, %get3A_86] : memref<1x1xf32, #tpu.memory_space<vmem>>, vector<1x1xf32>
      %mul3A_88 = arith.constant 6.10351563E-5 : f32
      %mul3A_89 = vector.broadcast %mul3A_88 : f32 to vector<1x1xf32>
      %mul3A_90 = arith.mulf %get3A_87, %mul3A_89 : vector<1x1xf32>
      %swap3A_91 = arith.constant 0 : index
      %swap3A_92 = arith.constant 0 : index
      %swap3A_93 = vector.load %arg7[%swap3A_91, %swap3A_92] : memref<1x1xf32, #tpu.memory_space<vmem>>, vector<1x1xf32>
      tpu.vector_store %arg7[%swap3A_91, %swap3A_92], %mul3A_90 {strides = array<i32>} : memref<1x1xf32, #tpu.memory_space<vmem>>, vector<1x1xf32>,
    } else {
    }
    return
  }
  func.func @transform_0(%arg0: i32) -> (i32, i32) {
    %c0_i32 = arith.constant 0 : i32
    %c0_i32_0 = arith.constant 0 : i32
    return %arg0, %c0_i32 : i32, i32
  }
  func.func @transform_1(%arg0: i32) -> (i32, i32) {
    %c0_i32 = arith.constant 0 : i32
    %c0_i32_0 = arith.constant 0 : i32
    return %arg0, %c0_i32 : i32, i32
  }
  func.func @transform_2(%arg0: i32) -> (i32, i32, i32) {
    %c0_i32 = arith.constant 0 : i32
    %c0_i32_0 = arith.constant 0 : i32
    %c0_i32_1 = arith.constant 0 : i32
    return %arg0, %c0_i32, %c0_i32_0 : i32, i32, i32
  }
  func.func @transform_3(%arg0: i32) -> (i32, i32, i32) {
    %c0_i32 = arith.constant 0 : i32
    %c0_i32_0 = arith.constant 0 : i32
    %c0_i32_1 = arith.constant 0 : i32
    return %arg0, %c0_i32, %c0_i32_0 : i32, i32, i32
  }
  func.func @transform_4(%arg0: i32) -> (i32, i32) {
    %c0_i32 = arith.constant 0 : i32
    %c0_i32_0 = arith.constant 0 : i32
    %c0_i32_1 = arith.constant 0 : i32
    return %c0_i32, %c0_i32_0 : i32, i32
  }
  func.func @transform_5(%arg0: i32) -> (i32, i32) {
    %c0_i32 = arith.constant 0 : i32
    %c0_i32_0 = arith.constant 0 : i32
    %c0_i32_1 = arith.constant 0 : i32
    return %c0_i32, %c0_i32_0 : i32, i32
  }
  func.func @transform_6(%arg0: i32) -> (i32, i32) {
    %c0_i32 = arith.constant 0 : i32
    %c0_i32_0 = arith.constant 0 : i32
    %c0_i32_1 = arith.constant 0 : i32
    return %c0_i32, %c0_i32_0 : i32, i32
  }
}

</mosaic_0001>

<sc_bundles>
// kernel: kernel.10.cloned.1.call-start
scs
__scs_entry_jumppad:
0x0: {  	(pc) =	sbr.rel $0x88, $3  }
0x1: {  	(tag) =	ssettag $0x0;
	lr =	simm.s32 $0x1  }
0x2: {  	[smem:$0x3F9C] =	sst lr;
	_ =	strace $0xD0000000  }
0x3: {  	_ = 	snop  }
0x4: {  	_ = 	snop  }
0x5: {  	_ = 	snop  }
0x6: {  	_ = 	snop  }
0x7: {  	_ = 	snop  }
__scs_overlays_trampoline_lowered:
0x8: {  	[smem:$0x3FAB] =	sst s0  }
0x9: {  	[smem:$0x3FAC] =	sst s1  }
0xa: {  	[smem:$0x3FAD] =	sst s2  }
0xb: {  	[smem:$0x3FAE] =	sst s3  }
0xc: {  	[smem:$0x3FAF] =	sst s4  }
0xd: {  	[smem:$0x3FB0] =	sst s5  }
0xe: {  	[smem:$0x3FB1] =	sst s6  }
0xf: {  	[smem:$0x3FB2] =	sst s7  }
0x10: {  	[smem:$0x3FB3] =	sst s8  }
0x11: {  	[smem:$0x3FB4] =	sst s9;
	s0 =	simm.s32 @!p0 $0x0  }
0x12: {  	s1 =	sld [smem:$0x3F9A];
	s0 =	simm.s32 @p0 $0x1  }
0x13: {  	[smem:$0x3FB5] =	sst s0;
	s0 =	simm.s32 @!p1 $0x0  }
0x14: {  	s2 =	sld [smem:$0x3F99];
	s0 =	simm.s32 @p1 $0x1  }
0x15: {  	[smem:$0x3FB6] =	sst s0;
	s0 =	simm.s32 @!p2 $0x0  }
0x16: {  	s3 =	sld [smem:$0x3FDB];
	s0 =	simm.s32 @p2 $0x1  }
0x17: {  	s4 =	simm.s32 $0x1BF5;
	[smem:$0x3FB8] =	sst s0  }
0x18: {  	s0 =	sld [smem:$0x3F9B];
	_ =	swait.ge [sflag:s4], $0x0  }
0x19: {  	s7 =	sld [smem:$0x3F9C]  }
0x1a: {  	s8 =	sadd.s32 $0xFFFFE003, lr  }
0x1b: {  	s9 =	sadd.s32 $0xFFFFFEF7, lr;
	s5 =	simm.s32 $0xFFFFFFFF;
	p2 =	slt.u32 s8, $0xFFFFF086  }
0x1c: {  	p1 =	slt.u32 s9, $0xF7A;
	s5 =	simm.s32 @!p2 $0x0  }
0x1d: {  	s5 =	simm.s32 @p1 $0x1;
	p0 =	seq.s32 s7, s2  }
0x1e: {  	s7 =	smul.u32 @!p0 $0xF7A, s2;
	p2 =	seq.s32 @!p0 s5, $0x0  }
0x1f: {  	s9 =	smul.u32 $0xF7A, s1;
	s8 =	simm.s32 @!p0 $0x1BF5;
	p2 =	por !p2, p0  }
0x20: {  	[sflag:s8] =	ssyncset.s32 @!p0 $0xFFFFF086;
	s6 =	sadd.s32 @!p0 s3, s7;
	s7 =	simm.s32 @!p0 $0x108  }
0x21: {  	s3 =	sadd.s32 s3, s9;
	s6 =	sadd.s32 @!p0 $0x88, s6;
	s7 =	simm.s32 @p2 $0x1082  }
0x22: {  	[simem:s7], [sflag:s8] =	dma.local @!p0 [hbm:s6], $0xF7A  }
0x23: {  	s9 =	sor.u32 $0xD0000000, s2;
	s6 =	simm.s32 $0x108;
	_ =	swait.ge @!p0 [sflag:s8], $0x0  }
0x24: {  	s3 =	sadd.s32 $0x88, s3;
	s6 =	simm.s32 @!p1 $0x1082;
	[sflag:s4] =	ssyncset.s32 $0xFFFFF086  }
0x25: {  	[simem:s6], [sflag:s4] =	dma.local [hbm:s3], $0xF7A  }
0x26: {  	[smem:$0x3F9C] =	sst s1;
	(tag) =	ssettag s2;
	_ =	strace s9  }
0x27: {  	s1 =	sld [smem:$0x3FAC]  }
0x28: {  	s2 =	sld [smem:$0x3FAD]  }
0x29: {  	s4 =	sld [smem:$0x3FAF]  }
0x2a: {  	p0 =	seq.s32 s5, $0x0;
	s5 =	sld [smem:$0x3FB0]  }
0x2b: {  	s6 =	sld [smem:$0x3FB1]  }
0x2c: {  	s7 =	sld [smem:$0x3FB2]  }
0x2d: {  	s3 =	simm.s32 $0x108;
	s8 =	sld [smem:$0x3FB3]  }
0x2e: {  	s3 =	simm.s32 @!p0 $0x1082;
	s9 =	sld [smem:$0x3FB4]  }
0x2f: {  	lr =	sadd.s32 s0, s3;
	s0 =	sld [smem:$0x3FAB]  }
0x30: {  	s3 =	sld [smem:$0x3FAE]  }
0x31: {  	[smem:$0x3FB7] =	sst s10  }
0x32: {  	s10 =	sld [smem:$0x3FB5];
	_ =	sdelay $0x3  }
0x33: {  	p0 =	seq.s32 s10, $0x1;
	s10 =	sld [smem:$0x3FB7];
	_ =	sdelay $0x3  }
0x34: {  	[smem:$0x3FB7] =	sst s10  }
0x35: {  	s10 =	sld [smem:$0x3FB6];
	_ =	sdelay $0x3  }
0x36: {  	p1 =	seq.s32 s10, $0x1;
	s10 =	sld [smem:$0x3FB7];
	_ =	sdelay $0x3  }
0x37: {  	[smem:$0x3FB7] =	sst s10  }
0x38: {  	s10 =	sld [smem:$0x3FB8]  }
0x39: {  	_ = 	snop;
	(pc) =	sbr.ind lr, $3  }
0x3a: {  	_ = 	snop  }
0x3b: {  	_ = 	snop  }
0x3c: {  	p2 =	seq.s32 s10, $0x1;
	s10 =	sld [smem:$0x3FB7]  }
0x3d: {  	_ =	shalt  }
0x3e: {  	_ =	shalt  }
0x3f: {  	_ =	shalt  }
0x40: {  	_ =	shalt  }
0x41: {  	_ =	shalt  }
0x42: {  	_ =	shalt  }
0x43: {  	_ =	shalt  }
0x44: {  	_ =	shalt  }
0x45: {  	_ =	shalt  }
0x46: {  	_ =	shalt  }
0x47: {  	_ =	shalt  }
0x48: {  	_ =	shalt  }
0x49: {  	_ =	shalt  }
0x4a: {  	_ =	shalt  }
0x4b: {  	_ =	shalt  }
0x4c: {  	_ =	shalt  }
0x4d: {  	_ =	shalt  }
0x4e: {  	_ =	shalt  }
0x4f: {  	_ =	shalt  }
0x50: {  	_ =	shalt  }
0x51: {  	_ =	shalt  }
0x52: {  	_ =	shalt  }
0x53: {  	_ =	shalt  }
0x54: {  	_ =	shalt  }
0x55: {  	_ =	shalt  }
0x56: {  	_ =	shalt  }
0x57: {  	_ =	shalt  }
0x58: {  	_ =	shalt  }
0x59: {  	_ =	shalt  }
0x5a: {  	_ =	shalt  }
0x5b: {  	_ =	shalt  }
0x5c: {  	_ =	shalt  }
0x5d: {  	_ =	shalt  }
0x5e: {  	_ =	shalt  }
0x5f: {  	_ =	shalt  }
0x60: {  	_ =	shalt  }
0x61: {  	_ =	shalt  }
0x62: {  	_ =	shalt  }
0x63: {  	_ =	shalt  }
0x64: {  	_ =	shalt  }
0x65: {  	_ =	shalt  }
0x66: {  	_ =	shalt  }
0x67: {  	_ =	shalt  }
0x68: {  	_ =	shalt  }
0x69: {  	_ =	shalt  }
0x6a: {  	_ =	shalt  }
0x6b: {  	_ =	shalt  }
0x6c: {  	_ =	shalt  }
0x6d: {  	_ =	shalt  }
0x6e: {  	_ =	shalt  }
0x6f: {  	_ =	shalt  }
0x70: {  	_ =	shalt  }
0x71: {  	_ =	shalt  }
0x72: {  	_ =	shalt  }
0x73: {  	_ =	shalt  }
0x74: {  	_ =	shalt  }
0x75: {  	_ =	shalt  }
0x76: {  	_ =	shalt  }
0x77: {  	_ =	shalt  }
0x78: {  	_ =	shalt  }
0x79: {  	_ =	shalt  }
0x7a: {  	_ =	shalt  }
0x7b: {  	_ =	shalt  }
0x7c: {  	_ =	shalt  }
0x7d: {  	_ =	shalt  }
0x7e: {  	_ =	shalt  }
0x7f: {  	_ =	shalt  }
0x80: {  	_ =	shalt  }
0x81: {  	_ =	shalt  }
0x82: {  	_ =	shalt  }
0x83: {  	_ =	shalt  }
0x84: {  	_ =	shalt  }
0x85: {  	_ =	shalt  }
0x86: {  	_ =	shalt  }
0x87: {  	_ =	shalt  }
.Lfunc_end0:
.L_simem_size_0:
called_computation.1_lowered:
.L_overlay_start_0:
0x88: {  	s2 =	sld [smem:$0x3FD9]  }
0x89: {  	s3 =	sld [smem:$0x3FFE];
	_ =	sdelay $0x1  }
0x8a: {  	s1 =	srdreg.scid  }
0x8b: {  	s0 =	sand.u32 $0x1, s1  }
0x8c: {  	s17 =	sshll.u32 s0, $0xA;
	s2 =	sadd.s32 s3, s2  }
0x8d: {  	s2 =	sadd.s32 s2, s17  }
0x8e: {  	[smem:$0x3FC3] =	sst s2  }
0x8f: {  	_ = 	snop  }
0x90: {  	s2 =	sld [smem:$0x3FC8]  }
0x91: {  	s18 =	sld [smem:$0x3FC5];
	(tm) =	ssettm $0x1  }
0x92: {  	s4 =	sld [smem:$0x3FFB];
	_ =	sdelay $0x3  }
0x93: {  	_ =	strace s4  }
0x94: {  	s4 =	sld [smem:$0x3FFC];
	_ =	sdelay $0x3  }
0x95: {  	_ =	strace s4  }
0x96: {  	s4 =	sld [smem:$0x3FFD];
	_ =	sdelay $0x3  }
0x97: {  	_ =	strace s4  }
0x98: {  	_ =	strace $0x8FFFFFFF  }
0x99: {  	s19 =	sld [smem:$0x3FDB];
	_ =	sdelay $0x1  }
0x9a: {  	s5 =	simm.s32 $_scs_section_size  }
0x9b: {  	s6 =	simm.s32 $_size__tile_overlayer_lowered;
	s7 =	simm.s32 $_tile_overlayer_lowered  }
0x9c: {  	s22 =	simm.s32 $0x1BFF;
	s21 =	sshll.u32 s7, $0x1;
	s4 =	sadd.s32 s5, s19  }
0x9d: {  	s8 =	simm.s32 $0x0;
	s20 =	sshll.u32 s6, $0x1;
	s6 =	sadd.s32 s21, s4  }
0x9e: {  	[timem:s8], [sflag:s22] =	dma.local [hbm:s6], s20  }
0x9f: {  	_ =	swait.ge [sflag:s22], s20  }
0xa0: {  	s5 =	ssub.s32 $0x0, s20;
	[sflag:s22] =	ssyncset.done $0x0  }
0xa1: {  	[sflag:s22] =	ssyncadd.s32 s5;
	_ =	sdelay $0x1  }
0xa2: {  	s23 =	simm.s32 $0x1B8B  }
0xa3: {  	_ =	swait.ge [sflag:s23], $0x1  }
0xa4: {  	[sflag:s23] =	ssyncset.done $0x0  }
0xa5: {  	s25 =	simm.s32 $0x1B8E;
	s24 =	sld [smem:$0x3FFE];
	[sflag:s23] =	ssyncadd.s32 $0xFFFFFFFF  }
0xa6: {  	s26 =	simm.s32 $execute0_lowered;
	[smem:$0x3FD2] =	sst s25  }
0xa7: {  	s6 =	sshll.u32 s26, $0x1;
	_ =	strace $0x80000046;
	[dreg:$0x1] =	wrdreg $0xFFFFFFFF  }
0xa8: {  	s28 =	simm.s32 $_size_execute0_lowered;
	s4 =	sadd.s32 s4, s6;
	[dreg:$0x0] =	wrdreg $0x0  }
0xa9: {  	s6 =	sshll.u32 s28, $0x1;
	[dreg:$0x2] =	wrdreg s4  }
0xaa: {  	[dreg:$0x3] =	wrdreg s6  }
0xab: {  	[dreg:$0x4] =	wrdreg $0xC0  }
0xac: {  	_ =	task [dreg:s8], $0x5FFFF  }
0xad: {  	[dreg:$0x1] =	wrdreg $0xFFFFFFFF  }
0xae: {  	[dreg:$0x0] =	wrdreg $0x60  }
0xaf: {  	[dreg:$0x2] =	wrdreg s2  }
0xb0: {  	[dreg:$0x3] =	wrdreg s24  }
0xb1: {  	[dreg:$0x4] =	wrdreg s18  }
0xb2: {  	[dreg:$0x5] =	wrdreg $0xA  }
0xb3: {  	_ =	task.clear_ibuf [dreg:s8], $0x6FFFF;
	_ =	strace $0x90000046  }
0xb4: {  	s29 =	simm.s32 $0xA;
	_ =	strace $0x80000048  }
0xb5: {  	_ =	swait.ge [sflag:s29], $0x1  }
0xb6: {  	[sflag:s29] =	ssyncadd.s32 $0xFFFFFFFF  }
0xb7: {  	_ =	strace $0x90000048  }
0xb8: {  	_ =	sfence  }
0xb9: {  	s30 =	sld [smem:$0x0];
	_ =	sdelay $0x2  }
0xba: {  	s31 =	sshll.u32 s1, $0xD;
	s1 =	sshrl.u32 s1, $0x2  }
0xbb: {  	s3 =	sand.u32 $0x4000, s31;
	s1 =	sadd.s32 s1, s30  }
0xbc: {  	s0 =	sor.u32 s3, s0;
	s1 =	sshll.u32 s1, $0x11  }
0xbd: {  	s0 =	sor.u32 s1, s0  }
0xbe: {  	s0 =	sadd.s32 $0x8F2B, s0  }
0xbf: {  	[sflag:s0] =	ssyncadd.remote.s32 $0x1  }
0xc0: {  	_ =	sfence.sel $0xFFFF  }
0xc1: {  	[dreg:$0x0] =	wrdreg $0xFFFFFFFF;
	(pc) =	sbr.abs _section_cstart, $3  }
0xc2: {  	[dreg:$0x1] =	wrdreg $0xFFFFFFFF  }
0xc3: {  	_ =	task.clear_ibuf [dreg:s8], $0x2FFFF;
	_ =	strace $0x9FFFFFFF  }
0xc4: {  	(tm) =	ssettm $0x7FFFFFFF  }
0xc5: {  	_ =	shalt  }
tec
execute0_lowered:
.L_overlay_start_1:
0x0: {  	(tag) =	ssettag $0x1  }
0x1: {  	s4 =	rddreg [dreg:$0x0]  }
0x2: {  	s28 =	rddreg [dreg:$0x1]  }
0x3: {  	s1 =	srdreg.scid;
	s0 =	stileid.u32  }
0x4: {  	s2 =	rddreg [dreg:$0x2];
	s29 =	sand.u32 $0x1, s1;
	s5 =	sshll.u32 s0, $0x1  }
0x5: {  	s3 =	simm.s32 $0x0;
	s1 =	rddreg [dreg:$0x3];
	s31 =	sor.u32 s29, s5  }
0x6: {  	[smem:$0x7FF] =	sst s3;
	s26 =	sshll.u32 s31, $0x6  }
0x7: {  	_ =	strace $0x80000047;
	s5 =	sadd.s32 s4, s26;
	s4 =	simm.s32 $0x3  }
0x8: {  	[tilespmem:s3], [sflag:$0x3] =	stream.linear.gather [hbm4b:s5+s3], $0x200, $0x38;
	[tilespmem:$0x10900] =	vst v63  }
0x9: {  	s6 =	sshll.u32 s31, $0x4;
	_ =	swait.ge [sflag:s4], $0x200  }
0xa: {  	s30 =	sadd.s32 s6, s28;
	[sflag:s4] =	ssyncset.done $0x0  }
0xb: {  	s7 =	simm.s32 $0x200;
	s6 =	sadd.s32 $0x2600, s30;
	[sflag:s4] =	ssyncadd.s32 $0xFFFFFE00  }
0xc: {  	[tilespmem:s7], [sflag:$0x3] =	stream.linear.gather [hbm4b:s6+s3], $0x80, $0x38;
	[tilespmem:$0x10900] =	vst v63  }
0xd: {  	_ =	swait.ge [sflag:s4], $0x80  }
0xe: {  	s9 =	simm.s32 $0x80;
	[sflag:s4] =	ssyncset.done $0x0  }
0xf: {  	s10 =	simm.s32 $0x280;
	s8 =	sadd.s32 $0x2800, s28;
	[sflag:s4] =	ssyncadd.s32 $0xFFFFFF80  }
0x10: {  	[tilespmem:s10], [sflag:$0x1] =	stream.indirect.gather [hbm4b:s8+s9], $0x80, s3, s9, $0xb8;
	[tilespmem:$0x10900] =	vst v63  }
0x11: {  	s11 =	simm.s32 $0x4280  }
0x12: {  	[tilespmem:s11], [sflag:$0x1] =	stream.indirect.gather [hbm4b:s8+s9], $0x80, s9, s9, $0xb8;
	[tilespmem:$0x10900] =	vst v63  }
0x13: {  	s12 =	simm.s32 $0x100;
	s13 =	simm.s32 $0x8280  }
0x14: {  	[tilespmem:s13], [sflag:$0x1] =	stream.indirect.gather [hbm4b:s8+s9], $0x80, s12, s9, $0xb8;
	[tilespmem:$0x10900] =	vst v63  }
0x15: {  	s14 =	simm.s32 $0x180;
	s15 =	simm.s32 $0xC280  }
0x16: {  	[tilespmem:s15], [sflag:$0x1] =	stream.indirect.gather [hbm4b:s8+s9], $0x80, s14, s9, $0xb8;
	[tilespmem:$0x10900] =	vst v63  }
0x17: {  	s16 =	simm.s32 $0x10280  }
0x18: {  	[tilespmem:s16], [sflag:$0x2] =	stream.indirect.gather [hbm4b:s2+s9], $0x1, s3, s9, $0xb8;
	[tilespmem:$0x10900] =	vst v63  }
0x19: {  	s17 =	simm.s32 $0x10300  }
0x1a: {  	[tilespmem:s17], [sflag:$0x2] =	stream.indirect.gather [hbm4b:s2+s9], $0x1, s9, s9, $0xb8;
	[tilespmem:$0x10900] =	vst v63  }
0x1b: {  	s18 =	simm.s32 $0x10380  }
0x1c: {  	[tilespmem:s18], [sflag:$0x2] =	stream.indirect.gather [hbm4b:s2+s9], $0x1, s12, s9, $0xb8;
	[tilespmem:$0x10900] =	vst v63  }
0x1d: {  	s19 =	simm.s32 $0x10400  }
0x1e: {  	[tilespmem:s19], [sflag:$0x2] =	stream.indirect.gather [hbm4b:s2+s9], $0x1, s14, s9, $0xb8;
	[tilespmem:$0x10900] =	vst v63  }
0x1f: {  	s20 =	simm.s32 $0x8;
	s21 =	simm.s32 $0x10480  }
0x20: {  	[tilespmem:s21], [sflag:$0x2] =	stream.indirect.gather [hbm4b:s8+s20], $0x80, s7, s20, $0xb8;
	[tilespmem:$0x10900] =	vst v63  }
0x21: {  	s22 =	simm.s32 $0x10880;
	s23 =	simm.s32 $0x1  }
0x22: {  	[tilespmem:s22], [sflag:$0x2] =	stream.indirect.gather [hbm4b:s2+s20], $0x1, s7, s20, $0xb8;
	[tilespmem:$0x10900] =	vst v63  }
0x23: {  	_ =	swait.ge [sflag:s23], $0x4000  }
0x24: {  	[sflag:s23] =	ssyncset.done $0x0  }
0x25: {  	[sflag:s23] =	ssyncadd.s32 $0xFFFFC000  }
0x26: {  	_ =	swait.ge [sflag:s23], $0x4000  }
0x27: {  	[sflag:s23] =	ssyncset.done $0x0  }
0x28: {  	[sflag:s23] =	ssyncadd.s32 $0xFFFFC000  }
0x29: {  	_ =	swait.ge [sflag:s23], $0x4000  }
0x2a: {  	[sflag:s23] =	ssyncset.done $0x0  }
0x2b: {  	[sflag:s23] =	ssyncadd.s32 $0xFFFFC000  }
0x2c: {  	s24 =	sshll.u32 s31, $0xD;
	_ =	swait.ge [sflag:s23], $0x4000  }
0x2d: {  	s24 =	sadd.s32 s24, s28;
	[sflag:s23] =	ssyncset.done $0x0  }
0x2e: {  	s24 =	sadd.s32 $0xC7000, s24;
	[sflag:s23] =	ssyncadd.s32 $0xFFFFC000  }
0x2f: {  	[hbm4b:s24+s3] =	stream.linear.scatter [tilespmem:s10], [sflag:$0x3], $0x10000, $0x38;
	[tilespmem:$0x10900] =	vst v63  }
0x30: {  	_ =	swait.ge [sflag:s4], $0x10000  }
0x31: {  	[sflag:s4] =	ssyncset.done $0x0  }
0x32: {  	s25 =	simm.s32 $0x2;
	[sflag:s4] =	ssyncadd.s32 $0xFFFF0000  }
0x33: {  	_ =	swait.ge [sflag:s25], $0x80  }
0x34: {  	[sflag:s25] =	ssyncset.done $0x0  }
0x35: {  	[sflag:s25] =	ssyncadd.s32 $0xFFFFFF80  }
0x36: {  	_ =	swait.ge [sflag:s25], $0x80  }
0x37: {  	[sflag:s25] =	ssyncset.done $0x0  }
0x38: {  	[sflag:s25] =	ssyncadd.s32 $0xFFFFFF80  }
0x39: {  	_ =	swait.ge [sflag:s25], $0x80  }
0x3a: {  	[sflag:s25] =	ssyncset.done $0x0  }
0x3b: {  	[sflag:s25] =	ssyncadd.s32 $0xFFFFFF80  }
0x3c: {  	_ =	swait.ge [sflag:s25], $0x80  }
0x3d: {  	[sflag:s25] =	ssyncset.done $0x0  }
0x3e: {  	[sflag:s25] =	ssyncadd.s32 $0xFFFFFF80  }
0x3f: {  	_ =	swait.ge [sflag:s25], $0x400  }
0x40: {  	[sflag:s25] =	ssyncset.done $0x0  }
0x41: {  	[sflag:s25] =	ssyncadd.s32 $0xFFFFFC00  }
0x42: {  	_ =	swait.ge [sflag:s25], $0x8  }
0x43: {  	s29 =	ssub.s32 $0x2, s29;
	s26 =	sadd.s32 s26, s28;
	[sflag:s25] =	ssyncset.done $0x0  }
0x44: {  	s31 =	sshll.u32 s31, $0x7;
	s26 =	sadd.s32 $0x107000, s26;
	[sflag:s25] =	ssyncadd.s32 $0xFFFFFFF8  }
0x45: {  	[hbm4b:s26+s3] =	stream.linear.scatter [tilespmem:s16], [sflag:$0x3], $0x200, $0x38;
	[tilespmem:$0x10900] =	vst v63  }
0x46: {  	s28 =	sadd.s32 s31, s28;
	s31 =	sshrl.u32 s29, $0x1;
	_ =	swait.ge [sflag:s4], $0x200  }
0x47: {  	s28 =	sadd.s32 $0xC5E00, s28;
	s31 =	ssub.s32 s29, s31;
	[sflag:s4] =	ssyncset.done $0x0  }
0x48: {  	s29 =	sadd.s32 $0xC6E00, s30;
	s30 =	smax.u32 s31, $0x1;
	[sflag:s4] =	ssyncadd.s32 $0xFFFFFE00  }
0x49: {  	[hbm4b:s28+s3] =	stream.linear.scatter [tilespmem:s21], [sflag:$0x3], $0x400, $0x38;
	[tilespmem:$0x10900] =	vst v63  }
0x4a: {  	p0 =	sne.s32 s30, $0x1;
	_ =	swait.ge [sflag:s4], $0x400  }
.Ltmp0:
0x4b: {  	[sflag:s4] =	ssyncset.done $0x0;
	(pc) =	sbr.rel @!p0 .LBB2_2-.Ltmp0, $4  }
0x4c: {  	[sflag:s4] =	ssyncadd.s32 $0xFFFFFC00  }
0x4d: {  	[hbm4b:s29+s3] =	stream.linear.scatter [tilespmem:s22], [sflag:$0x3], $0x80, $0x38;
	[tilespmem:$0x10900] =	vst v63  }
0x4e: {  	_ =	swait.ge [sflag:s4], $0x80  }
0x4f: {  	s30 =	sadd.s32 $0xFFFFFFFF, s30;
	[sflag:s4] =	ssyncset.done $0x0  }
.LBB2_1:
0x50: {  	p0 =	sne.s32 s30, $0x1;
	s30 =	sadd.s32 $0xFFFFFFFF, s30;
	[sflag:s4] =	ssyncadd.s32 $0xFFFFFF80  }
0x51: {  	[tilespmem:s3], [sflag:$0x3] =	stream.linear.gather [hbm4b:s5+s3], $0x200, $0x38;
	[tilespmem:$0x10900] =	vst v63  }
0x52: {  	_ =	swait.ge [sflag:s4], $0x200  }
0x53: {  	[sflag:s4] =	ssyncset.done $0x0  }
0x54: {  	[sflag:s4] =	ssyncadd.s32 $0xFFFFFE00  }
0x55: {  	[tilespmem:s7], [sflag:$0x3] =	stream.linear.gather [hbm4b:s6+s3], $0x80, $0x38;
	[tilespmem:$0x10900] =	vst v63  }
0x56: {  	_ =	swait.ge [sflag:s4], $0x80  }
0x57: {  	[sflag:s4] =	ssyncset.done $0x0  }
0x58: {  	[sflag:s4] =	ssyncadd.s32 $0xFFFFFF80  }
0x59: {  	[tilespmem:s10], [sflag:$0x1] =	stream.indirect.gather [hbm4b:s8+s9], $0x80, s3, s9, $0xb8;
	[tilespmem:$0x10900] =	vst v63  }
0x5a: {  	_ = 	snop  }
0x5b: {  	[tilespmem:s11], [sflag:$0x1] =	stream.indirect.gather [hbm4b:s8+s9], $0x80, s9, s9, $0xb8;
	[tilespmem:$0x10900] =	vst v63  }
0x5c: {  	_ = 	snop  }
0x5d: {  	[tilespmem:s13], [sflag:$0x1] =	stream.indirect.gather [hbm4b:s8+s9], $0x80, s12, s9, $0xb8;
	[tilespmem:$0x10900] =	vst v63  }
0x5e: {  	_ = 	snop  }
0x5f: {  	[tilespmem:s15], [sflag:$0x1] =	stream.indirect.gather [hbm4b:s8+s9], $0x80, s14, s9, $0xb8;
	[tilespmem:$0x10900] =	vst v63  }
0x60: {  	_ = 	snop  }
0x61: {  	[tilespmem:s16], [sflag:$0x2] =	stream.indirect.gather [hbm4b:s2+s9], $0x1, s3, s9, $0xb8;
	[tilespmem:$0x10900] =	vst v63  }
0x62: {  	_ = 	snop  }
0x63: {  	[tilespmem:s17], [sflag:$0x2] =	stream.indirect.gather [hbm4b:s2+s9], $0x1, s9, s9, $0xb8;
	[tilespmem:$0x10900] =	vst v63  }
0x64: {  	_ = 	snop  }
0x65: {  	[tilespmem:s18], [sflag:$0x2] =	stream.indirect.gather [hbm4b:s2+s9], $0x1, s12, s9, $0xb8;
	[tilespmem:$0x10900] =	vst v63  }
0x66: {  	_ = 	snop  }
0x67: {  	[tilespmem:s19], [sflag:$0x2] =	stream.indirect.gather [hbm4b:s2+s9], $0x1, s14, s9, $0xb8;
	[tilespmem:$0x10900] =	vst v63  }
0x68: {  	_ = 	snop  }
0x69: {  	[tilespmem:s21], [sflag:$0x2] =	stream.indirect.gather [hbm4b:s8+s20], $0x80, s7, s20, $0xb8;
	[tilespmem:$0x10900] =	vst v63  }
0x6a: {  	_ = 	snop  }
0x6b: {  	[tilespmem:s22], [sflag:$0x2] =	stream.indirect.gather [hbm4b:s2+s20], $0x1, s7, s20, $0xb8;
	[tilespmem:$0x10900] =	vst v63  }
0x6c: {  	_ =	swait.ge [sflag:s23], $0x4000  }
0x6d: {  	[sflag:s23] =	ssyncset.done $0x0  }
0x6e: {  	[sflag:s23] =	ssyncadd.s32 $0xFFFFC000  }
0x6f: {  	_ =	swait.ge [sflag:s23], $0x4000  }
0x70: {  	[sflag:s23] =	ssyncset.done $0x0  }
0x71: {  	[sflag:s23] =	ssyncadd.s32 $0xFFFFC000  }
0x72: {  	_ =	swait.ge [sflag:s23], $0x4000  }
0x73: {  	[sflag:s23] =	ssyncset.done $0x0  }
0x74: {  	[sflag:s23] =	ssyncadd.s32 $0xFFFFC000  }
0x75: {  	_ =	swait.ge [sflag:s23], $0x4000  }
0x76: {  	[sflag:s23] =	ssyncset.done $0x0  }
0x77: {  	[sflag:s23] =	ssyncadd.s32 $0xFFFFC000  }
0x78: {  	[hbm4b:s24+s3] =	stream.linear.scatter [tilespmem:s10], [sflag:$0x3], $0x10000, $0x38;
	[tilespmem:$0x10900] =	vst v63  }
0x79: {  	_ =	swait.ge [sflag:s4], $0x10000  }
0x7a: {  	[sflag:s4] =	ssyncset.done $0x0  }
0x7b: {  	[sflag:s4] =	ssyncadd.s32 $0xFFFF0000  }
0x7c: {  	_ =	swait.ge [sflag:s25], $0x80  }
0x7d: {  	[sflag:s25] =	ssyncset.done $0x0  }
0x7e: {  	[sflag:s25] =	ssyncadd.s32 $0xFFFFFF80  }
0x7f: {  	_ =	swait.ge [sflag:s25], $0x80  }
0x80: {  	[sflag:s25] =	ssyncset.done $0x0  }
0x81: {  	[sflag:s25] =	ssyncadd.s32 $0xFFFFFF80  }
0x82: {  	_ =	swait.ge [sflag:s25], $0x80  }
0x83: {  	[sflag:s25] =	ssyncset.done $0x0  }
0x84: {  	[sflag:s25] =	ssyncadd.s32 $0xFFFFFF80  }
0x85: {  	_ =	swait.ge [sflag:s25], $0x80  }
0x86: {  	[sflag:s25] =	ssyncset.done $0x0  }
0x87: {  	[sflag:s25] =	ssyncadd.s32 $0xFFFFFF80  }
0x88: {  	_ =	swait.ge [sflag:s25], $0x400  }
0x89: {  	[sflag:s25] =	ssyncset.done $0x0  }
0x8a: {  	[sflag:s25] =	ssyncadd.s32 $0xFFFFFC00  }
0x8b: {  	_ =	swait.ge [sflag:s25], $0x8  }
0x8c: {  	[sflag:s25] =	ssyncset.done $0x0  }
0x8d: {  	[sflag:s25] =	ssyncadd.s32 $0xFFFFFFF8  }
0x8e: {  	[hbm4b:s26+s3] =	stream.linear.scatter [tilespmem:s16], [sflag:$0x3], $0x200, $0x38;
	[tilespmem:$0x10900] =	vst v63  }
0x8f: {  	_ =	swait.ge [sflag:s4], $0x200  }
0x90: {  	[sflag:s4] =	ssyncset.done $0x0  }
0x91: {  	[sflag:s4] =	ssyncadd.s32 $0xFFFFFE00  }
0x92: {  	[hbm4b:s28+s3] =	stream.linear.scatter [tilespmem:s21], [sflag:$0x3], $0x400, $0x38;
	[tilespmem:$0x10900] =	vst v63  }
0x93: {  	_ =	swait.ge [sflag:s4], $0x400  }
.Ltmp1:
0x94: {  	[sflag:s4] =	ssyncset.done $0x0;
	(pc) =	sbr.rel @p0 .LBB2_1-.Ltmp1, $4  }
0x95: {  	[sflag:s4] =	ssyncadd.s32 $0xFFFFFC00  }
0x96: {  	[hbm4b:s29+s3] =	stream.linear.scatter [tilespmem:s22], [sflag:$0x3], $0x80, $0x38;
	[tilespmem:$0x10900] =	vst v63  }
0x97: {  	_ =	swait.ge [sflag:s4], $0x80  }
0x98: {  	[sflag:s4] =	ssyncset.done $0x0  }
.LBB2_2:
0x99: {  	[sflag:s4] =	ssyncadd.s32 $0xFFFFFF80  }
0x9a: {  	_ =	sfence.sel $0x180000  }
0x9b: {  	[bflag:$0x0] =	sbarrier.arrive $0xFFFF  }
0x9c: {  	p0 =	sne.s32 s0, $0x0;
	_ =	strace $0x90000047  }
0x9d: {  	s0 =	sadd.s32 @!p0 $0x100000, s1;
	[bflag:$0x2] =	sbarrier.arrive $0xFFFF  }
0x9e: {  	[sflag:s0] =	ssyncadd.tile.s32 @!p0 $0x1;
	_ =	shalt  }
.Lfunc_end2:
_tile_overlayer_lowered:
.L_overlay_start_2:
0x9f: {  	(tag) =	ssettag $0x2  }
0xa0: {  	s0 =	rddreg [dreg:$0x0];
	s2 =	stileid.u32  }
0xa1: {  	s1 =	rddreg [dreg:$0x1];
	p0 =	sne.s32 s2, $0x0  }
0xa2: {  	s3 =	rddreg [dreg:$0x2];
	[bflag:$0x3] =	sbarrier.arrive $0xFFFF;
	s2 =	simm.s32 @!p0 $0x1C03  }
0xa3: {  	[timem:s3], [sflag:s2] =	dma.local @!p0 [hbm:s0], s1  }
0xa4: {  	s0 =	simm.s32 @!p0 $0x3  }
0xa5: {  	_ =	swait.ge @!p0 [sflag:s0], s1  }
0xa6: {  	s1 =	ssub.s32 @!p0 $0x0, s1;
	[sflag:s0] =	ssyncset.done @!p0 $0x0  }
0xa7: {  	[sflag:s0] =	ssyncadd.s32 @!p0 s1  }
0xa8: {  	[bflag:$0x3] =	sbarrier.arrive $0xFFFF  }
0xa9: {  	_ =	shalt  }

// kernel: kernel.7.cloned.1.call-start
scs
__scs_entry_jumppad:
0x0: {  	(pc) =	sbr.rel $0x88, $3  }
0x1: {  	(tag) =	ssettag $0x0;
	lr =	simm.s32 $0x1  }
0x2: {  	[smem:$0x3F9C] =	sst lr;
	_ =	strace $0xD0000000  }
0x3: {  	_ = 	snop  }
0x4: {  	_ = 	snop  }
0x5: {  	_ = 	snop  }
0x6: {  	_ = 	snop  }
0x7: {  	_ = 	snop  }
__scs_overlays_trampoline_lowered:
0x8: {  	[smem:$0x3FAB] =	sst s0  }
0x9: {  	[smem:$0x3FAC] =	sst s1  }
0xa: {  	[smem:$0x3FAD] =	sst s2  }
0xb: {  	[smem:$0x3FAE] =	sst s3  }
0xc: {  	[smem:$0x3FAF] =	sst s4  }
0xd: {  	[smem:$0x3FB0] =	sst s5  }
0xe: {  	[smem:$0x3FB1] =	sst s6  }
0xf: {  	[smem:$0x3FB2] =	sst s7  }
0x10: {  	[smem:$0x3FB3] =	sst s8  }
0x11: {  	[smem:$0x3FB4] =	sst s9;
	s0 =	simm.s32 @!p0 $0x0  }
0x12: {  	s1 =	sld [smem:$0x3F9A];
	s0 =	simm.s32 @p0 $0x1  }
0x13: {  	[smem:$0x3FB5] =	sst s0;
	s0 =	simm.s32 @!p1 $0x0  }
0x14: {  	s2 =	sld [smem:$0x3F99];
	s0 =	simm.s32 @p1 $0x1  }
0x15: {  	[smem:$0x3FB6] =	sst s0;
	s0 =	simm.s32 @!p2 $0x0  }
0x16: {  	s3 =	sld [smem:$0x3FDB];
	s0 =	simm.s32 @p2 $0x1  }
0x17: {  	s4 =	simm.s32 $0x1BF5;
	[smem:$0x3FB8] =	sst s0  }
0x18: {  	s0 =	sld [smem:$0x3F9B];
	_ =	swait.ge [sflag:s4], $0x0  }
0x19: {  	s7 =	sld [smem:$0x3F9C]  }
0x1a: {  	s8 =	sadd.s32 $0xFFFFE003, lr  }
0x1b: {  	s9 =	sadd.s32 $0xFFFFFEF7, lr;
	s5 =	simm.s32 $0xFFFFFFFF;
	p2 =	slt.u32 s8, $0xFFFFF086  }
0x1c: {  	p1 =	slt.u32 s9, $0xF7A;
	s5 =	simm.s32 @!p2 $0x0  }
0x1d: {  	s5 =	simm.s32 @p1 $0x1;
	p0 =	seq.s32 s7, s2  }
0x1e: {  	s7 =	smul.u32 @!p0 $0xF7A, s2;
	p2 =	seq.s32 @!p0 s5, $0x0  }
0x1f: {  	s9 =	smul.u32 $0xF7A, s1;
	s8 =	simm.s32 @!p0 $0x1BF5;
	p2 =	por !p2, p0  }
0x20: {  	[sflag:s8] =	ssyncset.s32 @!p0 $0xFFFFF086;
	s6 =	sadd.s32 @!p0 s3, s7;
	s7 =	simm.s32 @!p0 $0x108  }
0x21: {  	s3 =	sadd.s32 s3, s9;
	s6 =	sadd.s32 @!p0 $0x88, s6;
	s7 =	simm.s32 @p2 $0x1082  }
0x22: {  	[simem:s7], [sflag:s8] =	dma.local @!p0 [hbm:s6], $0xF7A  }
0x23: {  	s9 =	sor.u32 $0xD0000000, s2;
	s6 =	simm.s32 $0x108;
	_ =	swait.ge @!p0 [sflag:s8], $0x0  }
0x24: {  	s3 =	sadd.s32 $0x88, s3;
	s6 =	simm.s32 @!p1 $0x1082;
	[sflag:s4] =	ssyncset.s32 $0xFFFFF086  }
0x25: {  	[simem:s6], [sflag:s4] =	dma.local [hbm:s3], $0xF7A  }
0x26: {  	[smem:$0x3F9C] =	sst s1;
	(tag) =	ssettag s2;
	_ =	strace s9  }
0x27: {  	s1 =	sld [smem:$0x3FAC]  }
0x28: {  	s2 =	sld [smem:$0x3FAD]  }
0x29: {  	s4 =	sld [smem:$0x3FAF]  }
0x2a: {  	p0 =	seq.s32 s5, $0x0;
	s5 =	sld [smem:$0x3FB0]  }
0x2b: {  	s6 =	sld [smem:$0x3FB1]  }
0x2c: {  	s7 =	sld [smem:$0x3FB2]  }
0x2d: {  	s3 =	simm.s32 $0x108;
	s8 =	sld [smem:$0x3FB3]  }
0x2e: {  	s3 =	simm.s32 @!p0 $0x1082;
	s9 =	sld [smem:$0x3FB4]  }
0x2f: {  	lr =	sadd.s32 s0, s3;
	s0 =	sld [smem:$0x3FAB]  }
0x30: {  	s3 =	sld [smem:$0x3FAE]  }
0x31: {  	[smem:$0x3FB7] =	sst s10  }
0x32: {  	s10 =	sld [smem:$0x3FB5];
	_ =	sdelay $0x3  }
0x33: {  	p0 =	seq.s32 s10, $0x1;
	s10 =	sld [smem:$0x3FB7];
	_ =	sdelay $0x3  }
0x34: {  	[smem:$0x3FB7] =	sst s10  }
0x35: {  	s10 =	sld [smem:$0x3FB6];
	_ =	sdelay $0x3  }
0x36: {  	p1 =	seq.s32 s10, $0x1;
	s10 =	sld [smem:$0x3FB7];
	_ =	sdelay $0x3  }
0x37: {  	[smem:$0x3FB7] =	sst s10  }
0x38: {  	s10 =	sld [smem:$0x3FB8]  }
0x39: {  	_ = 	snop;
	(pc) =	sbr.ind lr, $3  }
0x3a: {  	_ = 	snop  }
0x3b: {  	_ = 	snop  }
0x3c: {  	p2 =	seq.s32 s10, $0x1;
	s10 =	sld [smem:$0x3FB7]  }
0x3d: {  	_ =	shalt  }
0x3e: {  	_ =	shalt  }
0x3f: {  	_ =	shalt  }
0x40: {  	_ =	shalt  }
0x41: {  	_ =	shalt  }
0x42: {  	_ =	shalt  }
0x43: {  	_ =	shalt  }
0x44: {  	_ =	shalt  }
0x45: {  	_ =	shalt  }
0x46: {  	_ =	shalt  }
0x47: {  	_ =	shalt  }
0x48: {  	_ =	shalt  }
0x49: {  	_ =	shalt  }
0x4a: {  	_ =	shalt  }
0x4b: {  	_ =	shalt  }
0x4c: {  	_ =	shalt  }
0x4d: {  	_ =	shalt  }
0x4e: {  	_ =	shalt  }
0x4f: {  	_ =	shalt  }
0x50: {  	_ =	shalt  }
0x51: {  	_ =	shalt  }
0x52: {  	_ =	shalt  }
0x53: {  	_ =	shalt  }
0x54: {  	_ =	shalt  }
0x55: {  	_ =	shalt  }
0x56: {  	_ =	shalt  }
0x57: {  	_ =	shalt  }
0x58: {  	_ =	shalt  }
0x59: {  	_ =	shalt  }
0x5a: {  	_ =	shalt  }
0x5b: {  	_ =	shalt  }
0x5c: {  	_ =	shalt  }
0x5d: {  	_ =	shalt  }
0x5e: {  	_ =	shalt  }
0x5f: {  	_ =	shalt  }
0x60: {  	_ =	shalt  }
0x61: {  	_ =	shalt  }
0x62: {  	_ =	shalt  }
0x63: {  	_ =	shalt  }
0x64: {  	_ =	shalt  }
0x65: {  	_ =	shalt  }
0x66: {  	_ =	shalt  }
0x67: {  	_ =	shalt  }
0x68: {  	_ =	shalt  }
0x69: {  	_ =	shalt  }
0x6a: {  	_ =	shalt  }
0x6b: {  	_ =	shalt  }
0x6c: {  	_ =	shalt  }
0x6d: {  	_ =	shalt  }
0x6e: {  	_ =	shalt  }
0x6f: {  	_ =	shalt  }
0x70: {  	_ =	shalt  }
0x71: {  	_ =	shalt  }
0x72: {  	_ =	shalt  }
0x73: {  	_ =	shalt  }
0x74: {  	_ =	shalt  }
0x75: {  	_ =	shalt  }
0x76: {  	_ =	shalt  }
0x77: {  	_ =	shalt  }
0x78: {  	_ =	shalt  }
0x79: {  	_ =	shalt  }
0x7a: {  	_ =	shalt  }
0x7b: {  	_ =	shalt  }
0x7c: {  	_ =	shalt  }
0x7d: {  	_ =	shalt  }
0x7e: {  	_ =	shalt  }
0x7f: {  	_ =	shalt  }
0x80: {  	_ =	shalt  }
0x81: {  	_ =	shalt  }
0x82: {  	_ =	shalt  }
0x83: {  	_ =	shalt  }
0x84: {  	_ =	shalt  }
0x85: {  	_ =	shalt  }
0x86: {  	_ =	shalt  }
0x87: {  	_ =	shalt  }
.Lfunc_end0:
.L_simem_size_0:
called_computation_lowered:
.L_overlay_start_0:
0x88: {  	s2 =	sld [smem:$0x3FD9]  }
0x89: {  	s3 =	sld [smem:$0x3FFE];
	_ =	sdelay $0x1  }
0x8a: {  	s1 =	srdreg.scid  }
0x8b: {  	s0 =	sand.u32 $0x1, s1  }
0x8c: {  	s17 =	sshll.u32 s0, $0xA;
	s2 =	sadd.s32 s3, s2  }
0x8d: {  	s2 =	sadd.s32 s2, s17  }
0x8e: {  	[smem:$0x3FC3] =	sst s2  }
0x8f: {  	_ = 	snop  }
0x90: {  	s18 =	sld [smem:$0x3FC9];
	(tm) =	ssettm $0x1  }
0x91: {  	s19 =	sld [smem:$0x3FFB];
	_ =	sdelay $0x3  }
0x92: {  	_ =	strace s19  }
0x93: {  	s2 =	sld [smem:$0x3FFC];
	_ =	sdelay $0x3  }
0x94: {  	_ =	strace s2  }
0x95: {  	s2 =	sld [smem:$0x3FFD];
	_ =	sdelay $0x3  }
0x96: {  	_ =	strace s2  }
0x97: {  	_ =	strace $0x8FFFFFFF  }
0x98: {  	s20 =	sld [smem:$0x3FDB];
	_ =	sdelay $0x1  }
0x99: {  	s4 =	simm.s32 $_scs_section_size  }
0x9a: {  	s5 =	simm.s32 $_size__tile_overlayer_lowered;
	s6 =	simm.s32 $_tile_overlayer_lowered  }
0x9b: {  	s7 =	simm.s32 $0x1BFF;
	s21 =	sshll.u32 s6, $0x1;
	s4 =	sadd.s32 s4, s20  }
0x9c: {  	s22 =	simm.s32 $0x0;
	s5 =	sshll.u32 s5, $0x1;
	s6 =	sadd.s32 s21, s4  }
0x9d: {  	[timem:s22], [sflag:s7] =	dma.local [hbm:s6], s5  }
0x9e: {  	_ =	swait.ge [sflag:s7], s5  }
0x9f: {  	s5 =	ssub.s32 $0x0, s5;
	[sflag:s7] =	ssyncset.done $0x0  }
0xa0: {  	[sflag:s7] =	ssyncadd.s32 s5;
	_ =	sdelay $0x1  }
0xa1: {  	s23 =	simm.s32 $0x1B8B  }
0xa2: {  	_ =	swait.ge [sflag:s23], $0x1  }
0xa3: {  	[sflag:s23] =	ssyncset.done $0x0  }
0xa4: {  	[sflag:s23] =	ssyncadd.s32 $0xFFFFFFFF  }
0xa5: {  	s5 =	sld [smem:$0x0]  }
0xa6: {  	s6 =	sand.u32 $0xFFFFFFFE, s1  }
0xa7: {  	p0 =	sne.s32 s1, s6  }
0xa8: {  	s6 =	sshll.u32 @p0 s6, $0xE  }
0xa9: {  	s6 =	sadd.s32 @p0 $0x11B8D, s6;
	s7 =	sshll.u32 @p0 s5, $0x11  }
0xaa: {  	s6 =	sor.u32 @p0 s7, s6  }
0xab: {  	[sflag:s6] =	ssyncadd.remote.s32 @p0 $0x1;
	_ =	sdelay $0x1  }
0xac: {  	s6 =	simm.s32 @p0 $0x1B8D  }
0xad: {  	_ =	swait.eq @p0 [sflag:s6], $0x1  }
0xae: {  	[sflag:s6] =	ssyncadd.s32 @p0 $0xFFFFFFFF  }
0xaf: {  	s7 =	sshll.u32 @!p0 s1, $0xE  }
0xb0: {  	s7 =	sor.u32 @!p0 $0x4000, s7;
	s6 =	simm.s32 @!p0 $0x1B8D  }
0xb1: {  	s5 =	sshll.u32 @!p0 s5, $0x11;
	s7 =	sadd.s32 @!p0 $0x11B8D, s7;
	_ =	swait.eq @!p0 [sflag:s6], $0x1  }
0xb2: {  	s5 =	sor.u32 @!p0 s5, s7;
	[sflag:s6] =	ssyncadd.s32 @!p0 $0xFFFFFFFF  }
0xb3: {  	s25 =	simm.s32 $0x1B8E;
	s24 =	sld [smem:$0x3FFE];
	[sflag:s5] =	ssyncadd.remote.s32 @!p0 $0x1  }
0xb4: {  	s26 =	simm.s32 $execute0_lowered;
	[smem:$0x3FD2] =	sst s25  }
0xb5: {  	s6 =	sshll.u32 s26, $0x1;
	_ =	strace $0x80000049;
	[dreg:$0x1] =	wrdreg $0xFFFFFFFF  }
0xb6: {  	s28 =	simm.s32 $_size_execute0_lowered;
	s4 =	sadd.s32 s4, s6;
	[dreg:$0x0] =	wrdreg $0x0  }
0xb7: {  	s6 =	sshll.u32 s28, $0x1;
	[dreg:$0x2] =	wrdreg s4  }
0xb8: {  	[dreg:$0x3] =	wrdreg s6  }
0xb9: {  	[dreg:$0x4] =	wrdreg $0xC0  }
0xba: {  	_ =	task [dreg:s22], $0x5FFFF  }
0xbb: {  	[dreg:$0x1] =	wrdreg $0xFFFFFFFF  }
0xbc: {  	[dreg:$0x0] =	wrdreg $0x60  }
0xbd: {  	[dreg:$0x2] =	wrdreg s18  }
0xbe: {  	[dreg:$0x3] =	wrdreg s24  }
0xbf: {  	[dreg:$0x4] =	wrdreg $0x9  }
0xc0: {  	_ =	task.clear_ibuf [dreg:s22], $0x5FFFF;
	_ =	strace $0x90000049  }
0xc1: {  	s29 =	simm.s32 $0x9;
	_ =	strace $0x8000004B  }
0xc2: {  	_ =	swait.ge [sflag:s29], $0x1  }
0xc3: {  	[sflag:s29] =	ssyncadd.s32 $0xFFFFFFFF  }
0xc4: {  	_ =	strace $0x9000004B  }
0xc5: {  	_ =	sfence  }
0xc6: {  	s30 =	sld [smem:$0x0];
	_ =	sdelay $0x2  }
0xc7: {  	s31 =	sshll.u32 s1, $0xD;
	s1 =	sshrl.u32 s1, $0x2  }
0xc8: {  	s4 =	sand.u32 $0x4000, s31;
	s1 =	sadd.s32 s1, s30  }
0xc9: {  	s0 =	sor.u32 s4, s0;
	s1 =	sshll.u32 s1, $0x11  }
0xca: {  	s0 =	sor.u32 s1, s0  }
0xcb: {  	s0 =	sadd.s32 $0x8F2B, s0  }
0xcc: {  	[sflag:s0] =	ssyncadd.remote.s32 $0x1  }
0xcd: {  	_ =	sfence.sel $0xFFFF  }
0xce: {  	[dreg:$0x0] =	wrdreg $0xFFFFFFFF;
	(pc) =	sbr.abs _section_cstart, $3  }
0xcf: {  	[dreg:$0x1] =	wrdreg $0xFFFFFFFF  }
0xd0: {  	_ =	task.clear_ibuf [dreg:s22], $0x2FFFF;
	_ =	strace $0x9FFFFFFF  }
0xd1: {  	(tm) =	ssettm $0x7FFFFFFF  }
tec
execute0_lowered:
.L_overlay_start_1:
0x0: {  	(tag) =	ssettag $0x1  }
0x1: {  	s1 =	srdreg.scid  }
0x2: {  	s3 =	rddreg [dreg:$0x0];
	s0 =	stileid.u32;
	s14 =	sand.u32 $0x1, s1  }
0x3: {  	s15 =	rddreg [dreg:$0x1];
	s4 =	sshll.u32 s0, $0xA;
	s5 =	sshll.u32 s14, $0x9  }
0x4: {  	s2 =	simm.s32 $0x0;
	s1 =	rddreg [dreg:$0x2];
	s16 =	sor.u32 s5, s4  }
0x5: {  	[smem:$0x7FF] =	sst s2;
	s4 =	sshrl.u32 s16, $0x3  }
0x6: {  	_ =	strace $0x8000004A;
	s4 =	sadd.s32 s3, s4;
	s3 =	simm.s32 $0x2  }
0x7: {  	[tilespmem:s2], [sflag:$0x2] =	stream.linear.gather [hbm4b:s4+s2], $0x200, $0x38;
	[tilespmem:$0x10200] =	vst v63  }
0x8: {  	_ =	swait.ge [sflag:s3], $0x200  }
0x9: {  	s6 =	simm.s32 $0x80;
	[sflag:s3] =	ssyncset.done $0x0  }
0xa: {  	s7 =	simm.s32 $0x200;
	s5 =	sadd.s32 $0x107800, s15;
	[sflag:s3] =	ssyncadd.s32 $0xFFFFFE00  }
0xb: {  	[tilespmem:s7], [sflag:$0x1] =	stream.indirect.gather [hbm4b:s5+s6], $0x80, s2, s6, $0xb8;
	[tilespmem:$0x10200] =	vst v63  }
0xc: {  	s8 =	simm.s32 $0x4200  }
0xd: {  	[tilespmem:s8], [sflag:$0x1] =	stream.indirect.gather [hbm4b:s5+s6], $0x80, s6, s6, $0xb8;
	[tilespmem:$0x10200] =	vst v63  }
0xe: {  	s9 =	simm.s32 $0x100;
	s10 =	simm.s32 $0x8200  }
0xf: {  	[tilespmem:s10], [sflag:$0x1] =	stream.indirect.gather [hbm4b:s5+s6], $0x80, s9, s6, $0xb8;
	[tilespmem:$0x10200] =	vst v63  }
0x10: {  	s11 =	simm.s32 $0x180;
	s12 =	simm.s32 $0xC200;
	s13 =	simm.s32 $0x1  }
0x11: {  	[tilespmem:s12], [sflag:$0x1] =	stream.indirect.gather [hbm4b:s5+s6], $0x80, s11, s6, $0xb8;
	[tilespmem:$0x10200] =	vst v63  }
0x12: {  	_ =	swait.ge [sflag:s13], $0x4000  }
0x13: {  	[sflag:s13] =	ssyncset.done $0x0  }
0x14: {  	[sflag:s13] =	ssyncadd.s32 $0xFFFFC000  }
0x15: {  	_ =	swait.ge [sflag:s13], $0x4000  }
0x16: {  	[sflag:s13] =	ssyncset.done $0x0  }
0x17: {  	s14 =	ssub.s32 $0x2, s14;
	[sflag:s13] =	ssyncadd.s32 $0xFFFFC000  }
0x18: {  	s17 =	sshrl.u32 s14, $0x1;
	_ =	swait.ge [sflag:s13], $0x4000  }
0x19: {  	s30 =	ssub.s32 s14, s17;
	[sflag:s13] =	ssyncset.done $0x0  }
0x1a: {  	s31 =	smax.u32 s30, $0x1;
	[sflag:s13] =	ssyncadd.s32 $0xFFFFC000  }
0x1b: {  	s16 =	sshll.u32 s16, $0x4;
	p0 =	sne.s32 s31, $0x1;
	_ =	swait.ge [sflag:s13], $0x4000  }
.Ltmp0:
0x1c: {  	s15 =	sadd.s32 s16, s15;
	[sflag:s13] =	ssyncset.done $0x0;
	(pc) =	sbr.rel @!p0 .LBB2_2-.Ltmp0, $4  }
0x1d: {  	s14 =	sadd.s32 $0x1CAE00, s15;
	[sflag:s13] =	ssyncadd.s32 $0xFFFFC000  }
0x1e: {  	[hbm4b:s14+s2] =	stream.linear.scatter [tilespmem:s7], [sflag:$0x2], $0x10000, $0x38;
	[tilespmem:$0x10200] =	vst v63  }
0x1f: {  	_ =	swait.ge [sflag:s3], $0x10000  }
0x20: {  	s15 =	sadd.s32 $0xFFFFFFFF, s31;
	[sflag:s3] =	ssyncset.done $0x0  }
.LBB2_1:
0x21: {  	p0 =	sne.s32 s15, $0x1;
	s15 =	sadd.s32 $0xFFFFFFFF, s15;
	[sflag:s3] =	ssyncadd.s32 $0xFFFF0000  }
0x22: {  	[tilespmem:s2], [sflag:$0x2] =	stream.linear.gather [hbm4b:s4+s2], $0x200, $0x38;
	[tilespmem:$0x10200] =	vst v63  }
0x23: {  	_ =	swait.ge [sflag:s3], $0x200  }
0x24: {  	[sflag:s3] =	ssyncset.done $0x0  }
0x25: {  	[sflag:s3] =	ssyncadd.s32 $0xFFFFFE00  }
0x26: {  	[tilespmem:s7], [sflag:$0x1] =	stream.indirect.gather [hbm4b:s5+s6], $0x80, s2, s6, $0xb8;
	[tilespmem:$0x10200] =	vst v63  }
0x27: {  	_ = 	snop  }
0x28: {  	[tilespmem:s8], [sflag:$0x1] =	stream.indirect.gather [hbm4b:s5+s6], $0x80, s6, s6, $0xb8;
	[tilespmem:$0x10200] =	vst v63  }
0x29: {  	_ = 	snop  }
0x2a: {  	[tilespmem:s10], [sflag:$0x1] =	stream.indirect.gather [hbm4b:s5+s6], $0x80, s9, s6, $0xb8;
	[tilespmem:$0x10200] =	vst v63  }
0x2b: {  	_ = 	snop  }
0x2c: {  	[tilespmem:s12], [sflag:$0x1] =	stream.indirect.gather [hbm4b:s5+s6], $0x80, s11, s6, $0xb8;
	[tilespmem:$0x10200] =	vst v63  }
0x2d: {  	_ =	swait.ge [sflag:s13], $0x4000  }
0x2e: {  	[sflag:s13] =	ssyncset.done $0x0  }
0x2f: {  	[sflag:s13] =	ssyncadd.s32 $0xFFFFC000  }
0x30: {  	_ =	swait.ge [sflag:s13], $0x4000  }
0x31: {  	[sflag:s13] =	ssyncset.done $0x0  }
0x32: {  	[sflag:s13] =	ssyncadd.s32 $0xFFFFC000  }
0x33: {  	_ =	swait.ge [sflag:s13], $0x4000  }
0x34: {  	[sflag:s13] =	ssyncset.done $0x0  }
0x35: {  	[sflag:s13] =	ssyncadd.s32 $0xFFFFC000  }
0x36: {  	_ =	swait.ge [sflag:s13], $0x4000  }
.Ltmp1:
0x37: {  	[sflag:s13] =	ssyncset.done $0x0;
	(pc) =	sbr.rel @p0 .LBB2_1-.Ltmp1, $4  }
0x38: {  	[sflag:s13] =	ssyncadd.s32 $0xFFFFC000  }
0x39: {  	[hbm4b:s14+s2] =	stream.linear.scatter [tilespmem:s7], [sflag:$0x2], $0x10000, $0x38;
	[tilespmem:$0x10200] =	vst v63  }
0x3a: {  	_ =	swait.ge [sflag:s3], $0x10000  }
0x3b: {  	[sflag:s3] =	ssyncset.done $0x0  }
.LBB2_2:
0x3c: {  	[sflag:s3] =	ssyncadd.s32 $0xFFFF0000  }
0x3d: {  	_ =	sfence.sel $0x180000  }
0x3e: {  	[bflag:$0x0] =	sbarrier.arrive $0xFFFF  }
0x3f: {  	p0 =	sne.s32 s0, $0x0;
	_ =	strace $0x9000004A  }
0x40: {  	s0 =	sadd.s32 @!p0 $0x100000, s1;
	[bflag:$0x2] =	sbarrier.arrive $0xFFFF  }
0x41: {  	[sflag:s0] =	ssyncadd.tile.s32 @!p0 $0x1;
	_ =	shalt  }
.Lfunc_end2:
_tile_overlayer_lowered:
.L_overlay_start_2:
0x42: {  	(tag) =	ssettag $0x2  }
0x43: {  	s0 =	rddreg [dreg:$0x0];
	s2 =	stileid.u32  }
0x44: {  	s1 =	rddreg [dreg:$0x1];
	p0 =	sne.s32 s2, $0x0  }
0x45: {  	s3 =	rddreg [dreg:$0x2];
	[bflag:$0x3] =	sbarrier.arrive $0xFFFF;
	s2 =	simm.s32 @!p0 $0x1C02  }
0x46: {  	[timem:s3], [sflag:s2] =	dma.local @!p0 [hbm:s0], s1  }
0x47: {  	s0 =	simm.s32 @!p0 $0x2  }
0x48: {  	_ =	swait.ge @!p0 [sflag:s0], s1  }
0x49: {  	s1 =	ssub.s32 @!p0 $0x0, s1;
	[sflag:s0] =	ssyncset.done @!p0 $0x0  }
0x4a: {  	[sflag:s0] =	ssyncadd.s32 @!p0 s1  }
0x4b: {  	[bflag:$0x3] =	sbarrier.arrive $0xFFFF  }
0x4c: {  	_ =	shalt  }

</sc_bundles>
